<compile_context>
chip_gen: v7x
topology: tpu7x:2x2x1
jax: 0.10.2.dev20260603
libtpu: 0.0.44.dev20260713+nightly
codegen_flags: <defaults>
</compile_context>

<pallas_src>
import functools

import jax
import jax.numpy as jnp
from jax import lax
from jax.experimental import pallas as pl
from jax.experimental.pallas import tpu as pltpu
from jax.experimental.pallas import tpu_sc as plsc

N_NODES = 100000
N_EDGES = 6400000
NC, NS = 2, 16
NW = NC * NS
N_PAD = 102400
EPW = N_EDGES // NW
CH = 2000
N_CHUNKS = EPW // CH
CH_H = 4000
N_CHUNKS_H = EPW // CH_H
TILE_N = N_PAD // NS

_mesh = plsc.VectorSubcoreMesh(
    core_axis_name="c", subcore_axis_name="s", num_cores=NC, num_subcores=NS
)


@functools.partial(
    pl.kernel,
    out_type=jax.ShapeDtypeStruct((NW * N_PAD,), jnp.float32),
    mesh=_mesh,
    scratch_types=[
        pltpu.VMEM((N_PAD,), jnp.float32),
        pltpu.VMEM((CH_H,), jnp.int32),
        pltpu.VMEM((CH_H,), jnp.int32),
        pltpu.SemaphoreType.DMA,
        pltpu.SemaphoreType.DMA,
        pltpu.SemaphoreType.DMA,
    ],
    compiler_params=pltpu.CompilerParams(needs_layout_passes=False),
)
def _hist(dst_hbm, zeros_hbm, out_hbm, cnt_v, idx0, idx1, sz, si0, si1):
    c = lax.axis_index("c")
    s = lax.axis_index("s")
    w = c * NS + s
    base = w * EPW
    ibufs = (idx0, idx1)
    isems = (si0, si1)

    def issue_idx(k, p):
        pltpu.async_copy(dst_hbm.at[pl.ds(base + k * CH_H, CH_H)],
                         ibufs[p], isems[p])

    def wait_idx(k, p):
        pltpu.make_async_copy(dst_hbm.at[pl.ds(base + k * CH_H, CH_H)],
                              ibufs[p], isems[p]).wait()

    pltpu.async_copy(zeros_hbm, cnt_v, sz)
    issue_idx(0, 0)
    pltpu.make_async_copy(zeros_hbm, cnt_v, sz).wait()
    ones16 = jnp.ones((16,), jnp.float32)

    def count(p):
        iv = ibufs[p]

        def body(i, carry):
            for u in range(5):
                sl = pl.ds(pl.multiple_of(i * 80 + u * 16, 16), 16)
                plsc.addupdate_scatter(cnt_v, [iv[sl]], ones16)
            return carry

        lax.fori_loop(0, CH_H // 80, body, 0)

    def super_step(i, carry):
        k0 = i * 2
        wait_idx(k0, 0)
        issue_idx(k0 + 1, 1)
        count(0)
        wait_idx(k0 + 1, 1)

        @pl.when(i < N_CHUNKS_H // 2 - 1)
        def _():
            issue_idx(k0 + 2, 0)

        count(1)
        return carry

    lax.fori_loop(0, N_CHUNKS_H // 2, super_step, 0)
    pltpu.sync_copy(cnt_v, out_hbm.at[pl.ds(w * N_PAD, N_PAD)])


@functools.partial(
    pl.kernel,
    out_type=(
        jax.ShapeDtypeStruct((NC * N_PAD,), jnp.float32),
        jax.ShapeDtypeStruct((NC * N_PAD,), jnp.float32),
    ),
    mesh=_mesh,
    scratch_types=[
        pltpu.VMEM((N_PAD,), jnp.float32),
        pltpu.VMEM((CH,), jnp.int32),
        pltpu.VMEM((CH,), jnp.int32),
        pltpu.VMEM((CH,), jnp.int32),
        pltpu.VMEM((CH,), jnp.int32),
        pltpu.VMEM((CH,), jnp.float32),
        pltpu.VMEM((CH,), jnp.float32),
        pltpu.VMEM_SHARED((N_PAD,), jnp.float32),
        pltpu.VMEM_SHARED((N_PAD,), jnp.float32),
        pltpu.SemaphoreType.DMA,
        pltpu.SemaphoreType.DMA,
        pltpu.SemaphoreType.DMA,
        pltpu.SemaphoreType.DMA,
    ],
    compiler_params=pltpu.CompilerParams(needs_layout_passes=False),
)
def _edgepass(src_hbm, dst_hbm, y_hbm, dis_hbm, zeros_hbm,
              a_out, c_out, table_v, gidx0, gidx1, sidx0, sidx1,
              vals0, vals1, a_sh, c_sh, six0, six1, ssc0, ssc1):
    c = lax.axis_index("c")
    s = lax.axis_index("s")

    @pl.when(s == 0)
    def _():
        pltpu.sync_copy(zeros_hbm, a_sh)
        pltpu.sync_copy(zeros_hbm, c_sh)

    plsc.subcore_barrier()
    base = (c * NS + s) * EPW

    def sweep(table_hbm, gather_idx_hbm, scatter_idx_hbm, acc_sh):
        pltpu.sync_copy(table_hbm, table_v)
        gbufs = (gidx0, gidx1)
        sbufs = (sidx0, sidx1)
        vbufs = (vals0, vals1)
        isems = (six0, six1)
        ssems = (ssc0, ssc1)

        def issue_idx(k, p):
            off = base + k * CH
            pltpu.async_copy(gather_idx_hbm.at[pl.ds(off, CH)],
                             gbufs[p], isems[p])
            pltpu.async_copy(scatter_idx_hbm.at[pl.ds(off, CH)],
                             sbufs[p], isems[p])

        def wait_idx(k, p):
            off = base + k * CH
            pltpu.make_async_copy(gather_idx_hbm.at[pl.ds(off, CH)],
                                  gbufs[p], isems[p]).wait()
            pltpu.make_async_copy(scatter_idx_hbm.at[pl.ds(off, CH)],
                                  sbufs[p], isems[p]).wait()

        def gather(p):
            gv, vv = gbufs[p], vbufs[p]

            def gather80(i, carry):
                for u in range(5):
                    sl = pl.ds(pl.multiple_of(i * 80 + u * 16, 16), 16)
                    vv[sl] = plsc.load_gather(table_v, [gv[sl]])
                return carry

            lax.fori_loop(0, CH // 80, gather80, 0)

        def issue_scatter(p):
            pltpu.async_copy(vbufs[p], acc_sh.at[sbufs[p]], ssems[p], add=True)

        def wait_scatter(p):
            pltpu.make_async_copy(vbufs[p], acc_sh.at[sbufs[p]],
                                  ssems[p]).wait()

        issue_idx(0, 0)

        def super_step(i, carry):
            k0 = i * 2
            wait_idx(k0, 0)
            gather(0)

            @pl.when(i > 0)
            def _():
                wait_scatter(1)

            issue_scatter(0)
            issue_idx(k0 + 1, 1)

            wait_idx(k0 + 1, 1)
            gather(1)
            wait_scatter(0)
            issue_scatter(1)

            @pl.when(i < N_CHUNKS // 2 - 1)
            def _():
                issue_idx(k0 + 2, 0)

            return carry

        lax.fori_loop(0, N_CHUNKS // 2, super_step, 0)
        wait_scatter(1)

    sweep(y_hbm, src_hbm, dst_hbm, a_sh)
    sweep(dis_hbm, dst_hbm, src_hbm, c_sh)

    plsc.subcore_barrier()
    sl = pl.ds(s * TILE_N, TILE_N)
    off = c * N_PAD + s * TILE_N
    pltpu.sync_copy(a_sh.at[sl], a_out.at[pl.ds(off, TILE_N)])
    pltpu.sync_copy(c_sh.at[sl], c_out.at[pl.ds(off, TILE_N)])


PW_STEPS = 4
PW_PER = NW // PW_STEPS


def _pw_body(cntw_ref, x_ref, dis_ref, y_ref):
    i = pl.program_id(0)
    part = cntw_ref[pl.ds(0, N_PAD)]
    for k in range(1, PW_PER):
        part = part + cntw_ref[pl.ds(k * N_PAD, N_PAD)]

    @pl.when(i == 0)
    def _():
        dis_ref[...] = part

    @pl.when(i > 0)
    def _():
        dis_ref[...] += part

    @pl.when(i == PW_STEPS - 1)
    def _():
        dis = lax.rsqrt(dis_ref[...] + 1.0)
        dis_ref[...] = dis
        y_ref[...] = x_ref[...] * dis


_pw = pl.pallas_call(
    _pw_body,
    grid=(PW_STEPS,),
    in_specs=[
        pl.BlockSpec((PW_PER * N_PAD,), lambda i: (i,)),
        pl.BlockSpec((N_PAD,), lambda i: (0,)),
    ],
    out_specs=[
        pl.BlockSpec((N_PAD,), lambda i: (0,)),
        pl.BlockSpec((N_PAD,), lambda i: (0,)),
    ],
    out_shape=(
        jax.ShapeDtypeStruct((N_PAD,), jnp.float32),
        jax.ShapeDtypeStruct((N_PAD,), jnp.float32),
    ),
)


def _final_body(x_ref, dis_ref, a2_ref, c2_ref, mask_ref, w1_ref, b1_ref,
                w2_ref, b2_ref, wo_ref, bo_ref, out_ref):
    a = a2_ref[pl.ds(0, N_PAD)] + a2_ref[pl.ds(N_PAD, N_PAD)]
    cc = c2_ref[pl.ds(0, N_PAD)] + c2_ref[pl.ds(N_PAD, N_PAD)]
    dis = dis_ref[...]
    d2 = dis * dis
    s1 = dis * a + d2 * x_ref[...]
    t = (dis * cc + d2) * mask_ref[...]
    pooled = b2_ref[...]
    inv_n = 1.0 / N_NODES
    for j in range(16):
        h = jnp.maximum(s1 * w1_ref[0, j] + b1_ref[0, j], 0.0)
        pooled = pooled + (jnp.sum(t * h) * inv_n) * w2_ref[pl.ds(j, 1), :]
    out_ref[...] = jnp.sum(pooled * wo_ref[...]).reshape(1, 1) + bo_ref[...]


_final = pl.pallas_call(
    _final_body,
    out_shape=jax.ShapeDtypeStruct((1, 1), jnp.float32),
)


def kernel(x, edge_index, W1, b1, W2, b2, W_out, b_out):
    src = edge_index[0].astype(jnp.int32)
    dst = edge_index[1].astype(jnp.int32)
    zeros = jnp.zeros((N_PAD,), jnp.float32)
    cntw = _hist(dst, zeros)
    x_pad = jnp.pad(x[:, 0], (0, N_PAD - N_NODES))
    dis, y = _pw(cntw, x_pad)
    a2, c2 = _edgepass(src, dst, y, dis, zeros)
    mask = (jnp.arange(N_PAD) < N_NODES).astype(jnp.float32)
    return _final(
        x_pad, dis, a2, c2, mask,
        W1, b1.reshape(1, 16), W2, b2.reshape(1, 32),
        W_out.reshape(1, 32), b_out.reshape(1, 1),
    )

# --- scband reference (transcript-rebuilt; emitter-appended) ---
"""Pipeline reference for scband-gnn-9569187135793 (READ-ONLY COPY).

The authoritative reference and input builder live on the scoring server;
editing this copy changes nothing except your own understanding.
"""

import jax, jax.numpy as jnp
import numpy as np

N_NODES = 100000
N_EDGES = 6400000


def glorot(key, shape):
    fan_in, fan_out = shape[0], shape[1]
    limit = np.sqrt(6.0 / (fan_in + fan_out))
    return jax.random.uniform(key, shape, jnp.float32, -limit, limit)


def setup_inputs(seed: int = 0) -> dict:
    key = jax.random.key(seed)
    ks = jax.random.split(key, 8)
    x = jax.random.normal(ks[0], (N_NODES, 1), dtype=jnp.float32)
    edge_index = jax.random.randint(ks[1], (2, N_EDGES), 0, N_NODES, dtype=jnp.int64)
    W1 = glorot(ks[2], (1, 16))
    b1 = jnp.zeros((16,), jnp.float32)
    W2 = glorot(ks[3], (16, 32))
    b2 = jnp.zeros((32,), jnp.float32)
    W_out = glorot(ks[4], (32, 1))
    b_out = jnp.zeros((1,), jnp.float32)
    return {"x": x, "edge_index": edge_index, "W1": W1, "b1": b1, "W2": W2, "b2": b2, "W_out": W_out, "b_out": b_out}


def gcn_conv(x, src, dst, W, b, num_nodes):
    # GCNConv: add self-loops, symmetric normalization, scatter-add aggregation
    xw = x @ W
    deg = jnp.zeros((num_nodes,), jnp.float32).at[dst].add(1.0)
    deg_inv_sqrt = jnp.where(deg > 0, deg ** -0.5, 0.0)
    norm = deg_inv_sqrt[src] * deg_inv_sqrt[dst]
    msgs = xw[src] * norm[:, None]
    out = jnp.zeros((num_nodes, W.shape[1]), jnp.float32).at[dst].add(msgs)
    return out + b


def reference(x, edge_index, W1, b1, W2, b2, W_out, b_out):
    num_nodes = x.shape[0]
    loop = jnp.arange(num_nodes, dtype=edge_index.dtype)
    src = jnp.concatenate([edge_index[0], loop])
    dst = jnp.concatenate([edge_index[1], loop])
    h = gcn_conv(x, src, dst, W1, b1, num_nodes)
    h = jax.nn.relu(h)
    # dropout is identity in eval mode
    h = gcn_conv(h, src, dst, W2, b2, num_nodes)
    # global_mean_pool over a single graph (batch ids all zero)
    pooled = jnp.mean(h, axis=0, keepdims=True)  # [1, 32]
    out = pooled @ W_out + b_out  # [1, 1]
    return out

if __name__ == "__main__":
    import jax
    _d = setup_inputs()
    print(jax.jit(kernel)(*tuple(_d.values())))

</pallas_src>

<mosaic_0001>
#map = affine_map<(d0, d1) -> (0)>
module attributes {stable_mosaic.version = 14 : i64} {
  func.func @_edgepass(%arg0: i32, %arg1: i32, %arg2: memref<6400000xi32, #tpu.memory_space<hbm>>, %arg3: memref<6400000xi32, #tpu.memory_space<hbm>>, %arg4: memref<102400xf32, #tpu.memory_space<hbm>>, %arg5: memref<102400xf32, #tpu.memory_space<hbm>>, %arg6: memref<102400xf32, #tpu.memory_space<hbm>>, %arg7: memref<204800xf32, #tpu.memory_space<hbm>>, %arg8: memref<204800xf32, #tpu.memory_space<hbm>>, %arg9: memref<102400xf32, #tpu.memory_space<vmem>>, %arg10: memref<2000xi32, #tpu.memory_space<vmem>>, %arg11: memref<2000xi32, #tpu.memory_space<vmem>>, %arg12: memref<2000xi32, #tpu.memory_space<vmem>>, %arg13: memref<2000xi32, #tpu.memory_space<vmem>>, %arg14: memref<2000xf32, #tpu.memory_space<vmem>>, %arg15: memref<2000xf32, #tpu.memory_space<vmem>>, %arg16: memref<102400xf32, #tpu.memory_space<vmem_shared>>, %arg17: memref<102400xf32, #tpu.memory_space<vmem_shared>>, %arg18: memref<!tpu.dma_semaphore, #tpu.memory_space<semaphore_mem>>, %arg19: memref<!tpu.dma_semaphore, #tpu.memory_space<semaphore_mem>>, %arg20: memref<!tpu.dma_semaphore, #tpu.memory_space<semaphore_mem>>, %arg21: memref<!tpu.dma_semaphore, #tpu.memory_space<semaphore_mem>>) attributes {dimension_semantics = [#tpu.dimension_semantics<core_parallel>, #tpu.dimension_semantics<subcore_parallel>], iteration_bounds = array<i64: 2, 16>, scalar_prefetch = 0 : i64, scratch_operands = 13 : i64, tpu.core_type = #tpu.core_type<sc_vector_subcore>, window_params = [{transform_indices = #map}, {transform_indices = #map}, {transform_indices = #map}, {transform_indices = #map}, {transform_indices = #map}, {transform_indices = #map}, {transform_indices = #map}]} {
    %eq3A = arith.constant 0 : i32
    %eq3A_0 = arith.cmpi eq, %arg1, %eq3A : i32
    %convert_element_type3A = arith.extui %eq3A_0 : i1 to i32
    %cond3A = arith.constant 0 : i32
    %cond3A_1 = arith.cmpi ne, %convert_element_type3A, %cond3A : i32
    scf.if %cond3A_1 {
      "tpu.region"() ({
        %run_scoped3A = tpu.sem_alloc : memref<!tpu.dma_semaphore, #tpu.memory_space<semaphore_mem>>
        tpu.enqueue_dma source(%arg6 : memref<102400xf32, #tpu.memory_space<hbm>>) target(%arg16 : memref<102400xf32, #tpu.memory_space<vmem_shared>>) target_semaphore(%run_scoped3A : memref<!tpu.dma_semaphore, #tpu.memory_space<semaphore_mem>>)
        tpu.wait_dma2 semaphore(%run_scoped3A : memref<!tpu.dma_semaphore, #tpu.memory_space<semaphore_mem>>) src(%arg6 : memref<102400xf32, #tpu.memory_space<hbm>>) dst(%arg16 : memref<102400xf32, #tpu.memory_space<vmem_shared>>)
        tpu.yield
      }) : () -> ()
      "tpu.region"() ({
        %run_scoped3A = tpu.sem_alloc : memref<!tpu.dma_semaphore, #tpu.memory_space<semaphore_mem>>
        tpu.enqueue_dma source(%arg6 : memref<102400xf32, #tpu.memory_space<hbm>>) target(%arg17 : memref<102400xf32, #tpu.memory_space<vmem_shared>>) target_semaphore(%run_scoped3A : memref<!tpu.dma_semaphore, #tpu.memory_space<semaphore_mem>>)
        tpu.wait_dma2 semaphore(%run_scoped3A : memref<!tpu.dma_semaphore, #tpu.memory_space<semaphore_mem>>) src(%arg6 : memref<102400xf32, #tpu.memory_space<hbm>>) dst(%arg17 : memref<102400xf32, #tpu.memory_space<vmem_shared>>)
        tpu.yield
      }) : () -> ()
    } else {
    }
    %barrier3A = arith.constant 0 : index
    tpu.barrier barrier_id(%barrier3A)
    %mul3A = arith.constant 16 : i32
    %mul3A_2 = arith.muli %arg0, %mul3A : i32
    %add3A = arith.addi %mul3A_2, %arg1 : i32
    %mul3A_3 = arith.constant 200000 : i32
    %mul3A_4 = arith.muli %add3A, %mul3A_3 : i32
    "tpu.region"() ({
      %run_scoped3A = tpu.sem_alloc : memref<!tpu.dma_semaphore, #tpu.memory_space<semaphore_mem>>
      tpu.enqueue_dma source(%arg4 : memref<102400xf32, #tpu.memory_space<hbm>>) target(%arg9 : memref<102400xf32, #tpu.memory_space<vmem>>) target_semaphore(%run_scoped3A : memref<!tpu.dma_semaphore, #tpu.memory_space<semaphore_mem>>)
      tpu.wait_dma2 semaphore(%run_scoped3A : memref<!tpu.dma_semaphore, #tpu.memory_space<semaphore_mem>>) src(%arg4 : memref<102400xf32, #tpu.memory_space<hbm>>) dst(%arg9 : memref<102400xf32, #tpu.memory_space<vmem>>)
      tpu.yield
    }) : () -> ()
    %add3A_5 = arith.constant 0 : i32
    %add3A_6 = arith.addi %mul3A_4, %add3A_5 : i32
    %dma_start3A = tpu.memref_slice %arg2[%add3A_6] : memref<6400000xi32, #tpu.memory_space<hbm>> -> memref<2000xi32, #tpu.memory_space<hbm>>
    %dma_start3A_7 = tpu.memref_slice %arg2[%add3A_6] : memref<6400000xi32, #tpu.memory_space<hbm>> -> memref<2000xi32, #tpu.memory_space<hbm>>
    tpu.enqueue_dma source(%dma_start3A_7 : memref<2000xi32, #tpu.memory_space<hbm>>) target(%arg10 : memref<2000xi32, #tpu.memory_space<vmem>>) target_semaphore(%arg18 : memref<!tpu.dma_semaphore, #tpu.memory_space<semaphore_mem>>)
    %dma_start3A_8 = tpu.memref_slice %arg3[%add3A_6] : memref<6400000xi32, #tpu.memory_space<hbm>> -> memref<2000xi32, #tpu.memory_space<hbm>>
    %dma_start3A_9 = tpu.memref_slice %arg3[%add3A_6] : memref<6400000xi32, #tpu.memory_space<hbm>> -> memref<2000xi32, #tpu.memory_space<hbm>>
    tpu.enqueue_dma source(%dma_start3A_9 : memref<2000xi32, #tpu.memory_space<hbm>>) target(%arg12 : memref<2000xi32, #tpu.memory_space<vmem>>) target_semaphore(%arg18 : memref<!tpu.dma_semaphore, #tpu.memory_space<semaphore_mem>>)
    %scan3A = arith.constant 0 : i32
    %scan3A_10 = arith.constant 0 : i32
    %scan3A_11 = arith.constant 50 : i32
    %scan3A_12 = arith.addi %scan3A_10, %scan3A_11 : i32
    %scan3A_13 = arith.constant 1 : i32
    scf.for %scan3A_38 = %scan3A_10 to %scan3A_12 step %scan3A_13  : i32 {
      %mul3A_39 = arith.constant 2 : i32
      %mul3A_40 = arith.muli %scan3A_38, %mul3A_39 : i32
      %mul3A_41 = arith.constant 2000 : i32
      %mul3A_42 = arith.muli %mul3A_40, %mul3A_41 : i32
      %add3A_43 = arith.addi %mul3A_4, %mul3A_42 : i32
      %dma_wait3A_44 = tpu.memref_slice %arg2[%add3A_43] : memref<6400000xi32, #tpu.memory_space<hbm>> -> memref<2000xi32, #tpu.memory_space<hbm>>
      %dma_wait3A_45 = tpu.memref_slice %arg2[%add3A_43] : memref<6400000xi32, #tpu.memory_space<hbm>> -> memref<2000xi32, #tpu.memory_space<hbm>>
      tpu.wait_dma2 semaphore(%arg18 : memref<!tpu.dma_semaphore, #tpu.memory_space<semaphore_mem>>) src(%dma_wait3A_45 : memref<2000xi32, #tpu.memory_space<hbm>>) dst(%arg10 : memref<2000xi32, #tpu.memory_space<vmem>>)
      %dma_wait3A_46 = tpu.memref_slice %arg3[%add3A_43] : memref<6400000xi32, #tpu.memory_space<hbm>> -> memref<2000xi32, #tpu.memory_space<hbm>>
      %dma_wait3A_47 = tpu.memref_slice %arg3[%add3A_43] : memref<6400000xi32, #tpu.memory_space<hbm>> -> memref<2000xi32, #tpu.memory_space<hbm>>
      tpu.wait_dma2 semaphore(%arg18 : memref<!tpu.dma_semaphore, #tpu.memory_space<semaphore_mem>>) src(%dma_wait3A_47 : memref<2000xi32, #tpu.memory_space<hbm>>) dst(%arg12 : memref<2000xi32, #tpu.memory_space<vmem>>)
      %scan3A_48 = arith.constant 0 : i32
      %scan3A_49 = arith.constant 0 : i32
      %scan3A_50 = arith.constant 25 : i32
      %scan3A_51 = arith.addi %scan3A_49, %scan3A_50 : i32
      %scan3A_52 = arith.constant 1 : i32
      scf.for %scan3A_92 = %scan3A_49 to %scan3A_51 step %scan3A_52  : i32 {
        %mul3A_93 = arith.constant 80 : i32
        %mul3A_94 = arith.muli %scan3A_92, %mul3A_93 : i32
        %add3A_95 = arith.constant 0 : i32
        %add3A_96 = arith.addi %mul3A_94, %add3A_95 : i32
        %multiple_of3A = tpu.assume_multiple %add3A_96, 16 : i32
        %get3A = arith.index_cast %multiple_of3A : i32 to index
        %get3A_97 = tpu.vector_load %arg10[%get3A] {strides = array<i32>} : memref<2000xi32, #tpu.memory_space<vmem>>, vector<16xi32>,
        %gather3A = tpu.vector_load_idx %arg9[%get3A_97] : memref<102400xf32, #tpu.memory_space<vmem>>[vector<16xi32>], vector<16xf32>,
        %swap3A = arith.index_cast %multiple_of3A : i32 to index
        %swap3A_98 = tpu.vector_load %arg14[%swap3A] {strides = array<i32>} : memref<2000xf32, #tpu.memory_space<vmem>>, vector<16xf32>,
        tpu.vector_store %arg14[%swap3A], %gather3A {strides = array<i32>} : memref<2000xf32, #tpu.memory_space<vmem>>, vector<16xf32>,
        %mul3A_99 = arith.constant 80 : i32
        %mul3A_100 = arith.muli %scan3A_92, %mul3A_99 : i32
        %add3A_101 = arith.constant 16 : i32
        %add3A_102 = arith.addi %mul3A_100, %add3A_101 : i32
        %multiple_of3A_103 = tpu.assume_multiple %add3A_102, 16 : i32
        %get3A_104 = arith.index_cast %multiple_of3A_103 : i32 to index
        %get3A_105 = tpu.vector_load %arg10[%get3A_104] {strides = array<i32>} : memref<2000xi32, #tpu.memory_space<vmem>>, vector<16xi32>,
        %gather3A_106 = tpu.vector_load_idx %arg9[%get3A_105] : memref<102400xf32, #tpu.memory_space<vmem>>[vector<16xi32>], vector<16xf32>,
        %swap3A_107 = arith.index_cast %multiple_of3A_103 : i32 to index
        %swap3A_108 = tpu.vector_load %arg14[%swap3A_107] {strides = array<i32>} : memref<2000xf32, #tpu.memory_space<vmem>>, vector<16xf32>,
        tpu.vector_store %arg14[%swap3A_107], %gather3A_106 {strides = array<i32>} : memref<2000xf32, #tpu.memory_space<vmem>>, vector<16xf32>,
        %mul3A_109 = arith.constant 80 : i32
        %mul3A_110 = arith.muli %scan3A_92, %mul3A_109 : i32
        %add3A_111 = arith.constant 32 : i32
        %add3A_112 = arith.addi %mul3A_110, %add3A_111 : i32
        %multiple_of3A_113 = tpu.assume_multiple %add3A_112, 16 : i32
        %get3A_114 = arith.index_cast %multiple_of3A_113 : i32 to index
        %get3A_115 = tpu.vector_load %arg10[%get3A_114] {strides = array<i32>} : memref<2000xi32, #tpu.memory_space<vmem>>, vector<16xi32>,
        %gather3A_116 = tpu.vector_load_idx %arg9[%get3A_115] : memref<102400xf32, #tpu.memory_space<vmem>>[vector<16xi32>], vector<16xf32>,
        %swap3A_117 = arith.index_cast %multiple_of3A_113 : i32 to index
        %swap3A_118 = tpu.vector_load %arg14[%swap3A_117] {strides = array<i32>} : memref<2000xf32, #tpu.memory_space<vmem>>, vector<16xf32>,
        tpu.vector_store %arg14[%swap3A_117], %gather3A_116 {strides = array<i32>} : memref<2000xf32, #tpu.memory_space<vmem>>, vector<16xf32>,
        %mul3A_119 = arith.constant 80 : i32
        %mul3A_120 = arith.muli %scan3A_92, %mul3A_119 : i32
        %add3A_121 = arith.constant 48 : i32
        %add3A_122 = arith.addi %mul3A_120, %add3A_121 : i32
        %multiple_of3A_123 = tpu.assume_multiple %add3A_122, 16 : i32
        %get3A_124 = arith.index_cast %multiple_of3A_123 : i32 to index
        %get3A_125 = tpu.vector_load %arg10[%get3A_124] {strides = array<i32>} : memref<2000xi32, #tpu.memory_space<vmem>>, vector<16xi32>,
        %gather3A_126 = tpu.vector_load_idx %arg9[%get3A_125] : memref<102400xf32, #tpu.memory_space<vmem>>[vector<16xi32>], vector<16xf32>,
        %swap3A_127 = arith.index_cast %multiple_of3A_123 : i32 to index
        %swap3A_128 = tpu.vector_load %arg14[%swap3A_127] {strides = array<i32>} : memref<2000xf32, #tpu.memory_space<vmem>>, vector<16xf32>,
        tpu.vector_store %arg14[%swap3A_127], %gather3A_126 {strides = array<i32>} : memref<2000xf32, #tpu.memory_space<vmem>>, vector<16xf32>,
        %mul3A_129 = arith.constant 80 : i32
        %mul3A_130 = arith.muli %scan3A_92, %mul3A_129 : i32
        %add3A_131 = arith.constant 64 : i32
        %add3A_132 = arith.addi %mul3A_130, %add3A_131 : i32
        %multiple_of3A_133 = tpu.assume_multiple %add3A_132, 16 : i32
        %get3A_134 = arith.index_cast %multiple_of3A_133 : i32 to index
        %get3A_135 = tpu.vector_load %arg10[%get3A_134] {strides = array<i32>} : memref<2000xi32, #tpu.memory_space<vmem>>, vector<16xi32>,
        %gather3A_136 = tpu.vector_load_idx %arg9[%get3A_135] : memref<102400xf32, #tpu.memory_space<vmem>>[vector<16xi32>], vector<16xf32>,
        %swap3A_137 = arith.index_cast %multiple_of3A_133 : i32 to index
        %swap3A_138 = tpu.vector_load %arg14[%swap3A_137] {strides = array<i32>} : memref<2000xf32, #tpu.memory_space<vmem>>, vector<16xf32>,
        tpu.vector_store %arg14[%swap3A_137], %gather3A_136 {strides = array<i32>} : memref<2000xf32, #tpu.memory_space<vmem>>, vector<16xf32>,
      }
      %scan3A_53 = arith.constant 25 : i32
      %gt3A = arith.constant 0 : i32
      %gt3A_54 = arith.cmpi sgt, %scan3A_38, %gt3A : i32
      %convert_element_type3A_55 = arith.extui %gt3A_54 : i1 to i32
      %cond3A_56 = arith.constant 0 : i32
      %cond3A_57 = arith.cmpi ne, %convert_element_type3A_55, %cond3A_56 : i32
      scf.if %cond3A_57 {
        %dma_wait3A_92 = arith.constant 0 : i32
        %dma_wait3A_93 = tpu.memref_slice %arg16[%dma_wait3A_92] : memref<102400xf32, #tpu.memory_space<vmem_shared>> -> memref<102400xf32, #tpu.memory_space<vmem_shared>>
        tpu.wait_indirect_dma semaphore(%arg21 : memref<!tpu.dma_semaphore, #tpu.memory_space<semaphore_mem>>) src(%arg15 : memref<2000xf32, #tpu.memory_space<vmem>>) dst(%dma_wait3A_93 : memref<102400xf32, #tpu.memory_space<vmem_shared>>)
      } else {
      }
      %dma_start3A_58 = arith.constant 0 : i32
      %dma_start3A_59 = tpu.memref_slice %arg16[%dma_start3A_58] : memref<102400xf32, #tpu.memory_space<vmem_shared>> -> memref<102400xf32, #tpu.memory_space<vmem_shared>>
      tpu.enqueue_indirect_dma source(%arg14 : memref<2000xf32, #tpu.memory_space<vmem>>) target(%dma_start3A_59 : memref<102400xf32, #tpu.memory_space<vmem_shared>>) offsets(%arg12 : memref<2000xi32, #tpu.memory_space<vmem>>) semaphore(%arg20 : memref<!tpu.dma_semaphore, #tpu.memory_space<semaphore_mem>>) {add = true}
      %add3A_60 = arith.constant 1 : i32
      %add3A_61 = arith.addi %mul3A_40, %add3A_60 : i32
      %mul3A_62 = arith.constant 2000 : i32
      %mul3A_63 = arith.muli %add3A_61, %mul3A_62 : i32
      %add3A_64 = arith.addi %mul3A_4, %mul3A_63 : i32
      %dma_start3A_65 = tpu.memref_slice %arg2[%add3A_64] : memref<6400000xi32, #tpu.memory_space<hbm>> -> memref<2000xi32, #tpu.memory_space<hbm>>
      %dma_start3A_66 = tpu.memref_slice %arg2[%add3A_64] : memref<6400000xi32, #tpu.memory_space<hbm>> -> memref<2000xi32, #tpu.memory_space<hbm>>
      tpu.enqueue_dma source(%dma_start3A_66 : memref<2000xi32, #tpu.memory_space<hbm>>) target(%arg11 : memref<2000xi32, #tpu.memory_space<vmem>>) target_semaphore(%arg19 : memref<!tpu.dma_semaphore, #tpu.memory_space<semaphore_mem>>)
      %dma_start3A_67 = tpu.memref_slice %arg3[%add3A_64] : memref<6400000xi32, #tpu.memory_space<hbm>> -> memref<2000xi32, #tpu.memory_space<hbm>>
      %dma_start3A_68 = tpu.memref_slice %arg3[%add3A_64] : memref<6400000xi32, #tpu.memory_space<hbm>> -> memref<2000xi32, #tpu.memory_space<hbm>>
      tpu.enqueue_dma source(%dma_start3A_68 : memref<2000xi32, #tpu.memory_space<hbm>>) target(%arg13 : memref<2000xi32, #tpu.memory_space<vmem>>) target_semaphore(%arg19 : memref<!tpu.dma_semaphore, #tpu.memory_space<semaphore_mem>>)
      %add3A_69 = arith.constant 1 : i32
      %add3A_70 = arith.addi %mul3A_40, %add3A_69 : i32
      %mul3A_71 = arith.constant 2000 : i32
      %mul3A_72 = arith.muli %add3A_70, %mul3A_71 : i32
      %add3A_73 = arith.addi %mul3A_4, %mul3A_72 : i32
      %dma_wait3A_74 = tpu.memref_slice %arg2[%add3A_73] : memref<6400000xi32, #tpu.memory_space<hbm>> -> memref<2000xi32, #tpu.memory_space<hbm>>
      %dma_wait3A_75 = tpu.memref_slice %arg2[%add3A_73] : memref<6400000xi32, #tpu.memory_space<hbm>> -> memref<2000xi32, #tpu.memory_space<hbm>>
      tpu.wait_dma2 semaphore(%arg19 : memref<!tpu.dma_semaphore, #tpu.memory_space<semaphore_mem>>) src(%dma_wait3A_75 : memref<2000xi32, #tpu.memory_space<hbm>>) dst(%arg11 : memref<2000xi32, #tpu.memory_space<vmem>>)
      %dma_wait3A_76 = tpu.memref_slice %arg3[%add3A_73] : memref<6400000xi32, #tpu.memory_space<hbm>> -> memref<2000xi32, #tpu.memory_space<hbm>>
      %dma_wait3A_77 = tpu.memref_slice %arg3[%add3A_73] : memref<6400000xi32, #tpu.memory_space<hbm>> -> memref<2000xi32, #tpu.memory_space<hbm>>
      tpu.wait_dma2 semaphore(%arg19 : memref<!tpu.dma_semaphore, #tpu.memory_space<semaphore_mem>>) src(%dma_wait3A_77 : memref<2000xi32, #tpu.memory_space<hbm>>) dst(%arg13 : memref<2000xi32, #tpu.memory_space<vmem>>)
      %scan3A_78 = arith.constant 0 : i32
      %scan3A_79 = arith.constant 0 : i32
      %scan3A_80 = arith.constant 25 : i32
      %scan3A_81 = arith.addi %scan3A_79, %scan3A_80 : i32
      %scan3A_82 = arith.constant 1 : i32
      scf.for %scan3A_92 = %scan3A_79 to %scan3A_81 step %scan3A_82  : i32 {
        %mul3A_93 = arith.constant 80 : i32
        %mul3A_94 = arith.muli %scan3A_92, %mul3A_93 : i32
        %add3A_95 = arith.constant 0 : i32
        %add3A_96 = arith.addi %mul3A_94, %add3A_95 : i32
        %multiple_of3A = tpu.assume_multiple %add3A_96, 16 : i32
        %get3A = arith.index_cast %multiple_of3A : i32 to index
        %get3A_97 = tpu.vector_load %arg11[%get3A] {strides = array<i32>} : memref<2000xi32, #tpu.memory_space<vmem>>, vector<16xi32>,
        %gather3A = tpu.vector_load_idx %arg9[%get3A_97] : memref<102400xf32, #tpu.memory_space<vmem>>[vector<16xi32>], vector<16xf32>,
        %swap3A = arith.index_cast %multiple_of3A : i32 to index
        %swap3A_98 = tpu.vector_load %arg15[%swap3A] {strides = array<i32>} : memref<2000xf32, #tpu.memory_space<vmem>>, vector<16xf32>,
        tpu.vector_store %arg15[%swap3A], %gather3A {strides = array<i32>} : memref<2000xf32, #tpu.memory_space<vmem>>, vector<16xf32>,
        %mul3A_99 = arith.constant 80 : i32
        %mul3A_100 = arith.muli %scan3A_92, %mul3A_99 : i32
        %add3A_101 = arith.constant 16 : i32
        %add3A_102 = arith.addi %mul3A_100, %add3A_101 : i32
        %multiple_of3A_103 = tpu.assume_multiple %add3A_102, 16 : i32
        %get3A_104 = arith.index_cast %multiple_of3A_103 : i32 to index
        %get3A_105 = tpu.vector_load %arg11[%get3A_104] {strides = array<i32>} : memref<2000xi32, #tpu.memory_space<vmem>>, vector<16xi32>,
        %gather3A_106 = tpu.vector_load_idx %arg9[%get3A_105] : memref<102400xf32, #tpu.memory_space<vmem>>[vector<16xi32>], vector<16xf32>,
        %swap3A_107 = arith.index_cast %multiple_of3A_103 : i32 to index
        %swap3A_108 = tpu.vector_load %arg15[%swap3A_107] {strides = array<i32>} : memref<2000xf32, #tpu.memory_space<vmem>>, vector<16xf32>,
        tpu.vector_store %arg15[%swap3A_107], %gather3A_106 {strides = array<i32>} : memref<2000xf32, #tpu.memory_space<vmem>>, vector<16xf32>,
        %mul3A_109 = arith.constant 80 : i32
        %mul3A_110 = arith.muli %scan3A_92, %mul3A_109 : i32
        %add3A_111 = arith.constant 32 : i32
        %add3A_112 = arith.addi %mul3A_110, %add3A_111 : i32
        %multiple_of3A_113 = tpu.assume_multiple %add3A_112, 16 : i32
        %get3A_114 = arith.index_cast %multiple_of3A_113 : i32 to index
        %get3A_115 = tpu.vector_load %arg11[%get3A_114] {strides = array<i32>} : memref<2000xi32, #tpu.memory_space<vmem>>, vector<16xi32>,
        %gather3A_116 = tpu.vector_load_idx %arg9[%get3A_115] : memref<102400xf32, #tpu.memory_space<vmem>>[vector<16xi32>], vector<16xf32>,
        %swap3A_117 = arith.index_cast %multiple_of3A_113 : i32 to index
        %swap3A_118 = tpu.vector_load %arg15[%swap3A_117] {strides = array<i32>} : memref<2000xf32, #tpu.memory_space<vmem>>, vector<16xf32>,
        tpu.vector_store %arg15[%swap3A_117], %gather3A_116 {strides = array<i32>} : memref<2000xf32, #tpu.memory_space<vmem>>, vector<16xf32>,
        %mul3A_119 = arith.constant 80 : i32
        %mul3A_120 = arith.muli %scan3A_92, %mul3A_119 : i32
        %add3A_121 = arith.constant 48 : i32
        %add3A_122 = arith.addi %mul3A_120, %add3A_121 : i32
        %multiple_of3A_123 = tpu.assume_multiple %add3A_122, 16 : i32
        %get3A_124 = arith.index_cast %multiple_of3A_123 : i32 to index
        %get3A_125 = tpu.vector_load %arg11[%get3A_124] {strides = array<i32>} : memref<2000xi32, #tpu.memory_space<vmem>>, vector<16xi32>,
        %gather3A_126 = tpu.vector_load_idx %arg9[%get3A_125] : memref<102400xf32, #tpu.memory_space<vmem>>[vector<16xi32>], vector<16xf32>,
        %swap3A_127 = arith.index_cast %multiple_of3A_123 : i32 to index
        %swap3A_128 = tpu.vector_load %arg15[%swap3A_127] {strides = array<i32>} : memref<2000xf32, #tpu.memory_space<vmem>>, vector<16xf32>,
        tpu.vector_store %arg15[%swap3A_127], %gather3A_126 {strides = array<i32>} : memref<2000xf32, #tpu.memory_space<vmem>>, vector<16xf32>,
        %mul3A_129 = arith.constant 80 : i32
        %mul3A_130 = arith.muli %scan3A_92, %mul3A_129 : i32
        %add3A_131 = arith.constant 64 : i32
        %add3A_132 = arith.addi %mul3A_130, %add3A_131 : i32
        %multiple_of3A_133 = tpu.assume_multiple %add3A_132, 16 : i32
        %get3A_134 = arith.index_cast %multiple_of3A_133 : i32 to index
        %get3A_135 = tpu.vector_load %arg11[%get3A_134] {strides = array<i32>} : memref<2000xi32, #tpu.memory_space<vmem>>, vector<16xi32>,
        %gather3A_136 = tpu.vector_load_idx %arg9[%get3A_135] : memref<102400xf32, #tpu.memory_space<vmem>>[vector<16xi32>], vector<16xf32>,
        %swap3A_137 = arith.index_cast %multiple_of3A_133 : i32 to index
        %swap3A_138 = tpu.vector_load %arg15[%swap3A_137] {strides = array<i32>} : memref<2000xf32, #tpu.memory_space<vmem>>, vector<16xf32>,
        tpu.vector_store %arg15[%swap3A_137], %gather3A_136 {strides = array<i32>} : memref<2000xf32, #tpu.memory_space<vmem>>, vector<16xf32>,
      }
      %scan3A_83 = arith.constant 25 : i32
      %dma_wait3A_84 = arith.constant 0 : i32
      %dma_wait3A_85 = tpu.memref_slice %arg16[%dma_wait3A_84] : memref<102400xf32, #tpu.memory_space<vmem_shared>> -> memref<102400xf32, #tpu.memory_space<vmem_shared>>
      tpu.wait_indirect_dma semaphore(%arg20 : memref<!tpu.dma_semaphore, #tpu.memory_space<semaphore_mem>>) src(%arg14 : memref<2000xf32, #tpu.memory_space<vmem>>) dst(%dma_wait3A_85 : memref<102400xf32, #tpu.memory_space<vmem_shared>>)
      %dma_start3A_86 = arith.constant 0 : i32
      %dma_start3A_87 = tpu.memref_slice %arg16[%dma_start3A_86] : memref<102400xf32, #tpu.memory_space<vmem_shared>> -> memref<102400xf32, #tpu.memory_space<vmem_shared>>
      tpu.enqueue_indirect_dma source(%arg15 : memref<2000xf32, #tpu.memory_space<vmem>>) target(%dma_start3A_87 : memref<102400xf32, #tpu.memory_space<vmem_shared>>) offsets(%arg13 : memref<2000xi32, #tpu.memory_space<vmem>>) semaphore(%arg21 : memref<!tpu.dma_semaphore, #tpu.memory_space<semaphore_mem>>) {add = true}
      %lt3A = arith.constant 49 : i32
      %lt3A_88 = arith.cmpi slt, %scan3A_38, %lt3A : i32
      %convert_element_type3A_89 = arith.extui %lt3A_88 : i1 to i32
      %cond3A_90 = arith.constant 0 : i32
      %cond3A_91 = arith.cmpi ne, %convert_element_type3A_89, %cond3A_90 : i32
      scf.if %cond3A_91 {
        %add3A_92 = arith.constant 2 : i32
        %add3A_93 = arith.addi %mul3A_40, %add3A_92 : i32
        %mul3A_94 = arith.constant 2000 : i32
        %mul3A_95 = arith.muli %add3A_93, %mul3A_94 : i32
        %add3A_96 = arith.addi %mul3A_4, %mul3A_95 : i32
        %dma_start3A_97 = tpu.memref_slice %arg2[%add3A_96] : memref<6400000xi32, #tpu.memory_space<hbm>> -> memref<2000xi32, #tpu.memory_space<hbm>>
        %dma_start3A_98 = tpu.memref_slice %arg2[%add3A_96] : memref<6400000xi32, #tpu.memory_space<hbm>> -> memref<2000xi32, #tpu.memory_space<hbm>>
        tpu.enqueue_dma source(%dma_start3A_98 : memref<2000xi32, #tpu.memory_space<hbm>>) target(%arg10 : memref<2000xi32, #tpu.memory_space<vmem>>) target_semaphore(%arg18 : memref<!tpu.dma_semaphore, #tpu.memory_space<semaphore_mem>>)
        %dma_start3A_99 = tpu.memref_slice %arg3[%add3A_96] : memref<6400000xi32, #tpu.memory_space<hbm>> -> memref<2000xi32, #tpu.memory_space<hbm>>
        %dma_start3A_100 = tpu.memref_slice %arg3[%add3A_96] : memref<6400000xi32, #tpu.memory_space<hbm>> -> memref<2000xi32, #tpu.memory_space<hbm>>
        tpu.enqueue_dma source(%dma_start3A_100 : memref<2000xi32, #tpu.memory_space<hbm>>) target(%arg12 : memref<2000xi32, #tpu.memory_space<vmem>>) target_semaphore(%arg18 : memref<!tpu.dma_semaphore, #tpu.memory_space<semaphore_mem>>)
      } else {
      }
    }
    %scan3A_14 = arith.constant 50 : i32
    %dma_wait3A = arith.constant 0 : i32
    %dma_wait3A_15 = tpu.memref_slice %arg16[%dma_wait3A] : memref<102400xf32, #tpu.memory_space<vmem_shared>> -> memref<102400xf32, #tpu.memory_space<vmem_shared>>
    tpu.wait_indirect_dma semaphore(%arg21 : memref<!tpu.dma_semaphore, #tpu.memory_space<semaphore_mem>>) src(%arg15 : memref<2000xf32, #tpu.memory_space<vmem>>) dst(%dma_wait3A_15 : memref<102400xf32, #tpu.memory_space<vmem_shared>>)
    "tpu.region"() ({
      %run_scoped3A = tpu.sem_alloc : memref<!tpu.dma_semaphore, #tpu.memory_space<semaphore_mem>>
      tpu.enqueue_dma source(%arg5 : memref<102400xf32, #tpu.memory_space<hbm>>) target(%arg9 : memref<102400xf32, #tpu.memory_space<vmem>>) target_semaphore(%run_scoped3A : memref<!tpu.dma_semaphore, #tpu.memory_space<semaphore_mem>>)
      tpu.wait_dma2 semaphore(%run_scoped3A : memref<!tpu.dma_semaphore, #tpu.memory_space<semaphore_mem>>) src(%arg5 : memref<102400xf32, #tpu.memory_space<hbm>>) dst(%arg9 : memref<102400xf32, #tpu.memory_space<vmem>>)
      tpu.yield
    }) : () -> ()
    %add3A_16 = arith.constant 0 : i32
    %add3A_17 = arith.addi %mul3A_4, %add3A_16 : i32
    %dma_start3A_18 = tpu.memref_slice %arg3[%add3A_17] : memref<6400000xi32, #tpu.memory_space<hbm>> -> memref<2000xi32, #tpu.memory_space<hbm>>
    %dma_start3A_19 = tpu.memref_slice %arg3[%add3A_17] : memref<6400000xi32, #tpu.memory_space<hbm>> -> memref<2000xi32, #tpu.memory_space<hbm>>
    tpu.enqueue_dma source(%dma_start3A_19 : memref<2000xi32, #tpu.memory_space<hbm>>) target(%arg10 : memref<2000xi32, #tpu.memory_space<vmem>>) target_semaphore(%arg18 : memref<!tpu.dma_semaphore, #tpu.memory_space<semaphore_mem>>)
    %dma_start3A_20 = tpu.memref_slice %arg2[%add3A_17] : memref<6400000xi32, #tpu.memory_space<hbm>> -> memref<2000xi32, #tpu.memory_space<hbm>>
    %dma_start3A_21 = tpu.memref_slice %arg2[%add3A_17] : memref<6400000xi32, #tpu.memory_space<hbm>> -> memref<2000xi32, #tpu.memory_space<hbm>>
    tpu.enqueue_dma source(%dma_start3A_21 : memref<2000xi32, #tpu.memory_space<hbm>>) target(%arg12 : memref<2000xi32, #tpu.memory_space<vmem>>) target_semaphore(%arg18 : memref<!tpu.dma_semaphore, #tpu.memory_space<semaphore_mem>>)
    %scan3A_22 = arith.constant 0 : i32
    %scan3A_23 = arith.constant 0 : i32
    %scan3A_24 = arith.constant 50 : i32
    %scan3A_25 = arith.addi %scan3A_23, %scan3A_24 : i32
    %scan3A_26 = arith.constant 1 : i32
    scf.for %scan3A_38 = %scan3A_23 to %scan3A_25 step %scan3A_26  : i32 {
      %mul3A_39 = arith.constant 2 : i32
      %mul3A_40 = arith.muli %scan3A_38, %mul3A_39 : i32
      %mul3A_41 = arith.constant 2000 : i32
      %mul3A_42 = arith.muli %mul3A_40, %mul3A_41 : i32
      %add3A_43 = arith.addi %mul3A_4, %mul3A_42 : i32
      %dma_wait3A_44 = tpu.memref_slice %arg3[%add3A_43] : memref<6400000xi32, #tpu.memory_space<hbm>> -> memref<2000xi32, #tpu.memory_space<hbm>>
      %dma_wait3A_45 = tpu.memref_slice %arg3[%add3A_43] : memref<6400000xi32, #tpu.memory_space<hbm>> -> memref<2000xi32, #tpu.memory_space<hbm>>
      tpu.wait_dma2 semaphore(%arg18 : memref<!tpu.dma_semaphore, #tpu.memory_space<semaphore_mem>>) src(%dma_wait3A_45 : memref<2000xi32, #tpu.memory_space<hbm>>) dst(%arg10 : memref<2000xi32, #tpu.memory_space<vmem>>)
      %dma_wait3A_46 = tpu.memref_slice %arg2[%add3A_43] : memref<6400000xi32, #tpu.memory_space<hbm>> -> memref<2000xi32, #tpu.memory_space<hbm>>
      %dma_wait3A_47 = tpu.memref_slice %arg2[%add3A_43] : memref<6400000xi32, #tpu.memory_space<hbm>> -> memref<2000xi32, #tpu.memory_space<hbm>>
      tpu.wait_dma2 semaphore(%arg18 : memref<!tpu.dma_semaphore, #tpu.memory_space<semaphore_mem>>) src(%dma_wait3A_47 : memref<2000xi32, #tpu.memory_space<hbm>>) dst(%arg12 : memref<2000xi32, #tpu.memory_space<vmem>>)
      %scan3A_48 = arith.constant 0 : i32
      %scan3A_49 = arith.constant 0 : i32
      %scan3A_50 = arith.constant 25 : i32
      %scan3A_51 = arith.addi %scan3A_49, %scan3A_50 : i32
      %scan3A_52 = arith.constant 1 : i32
      scf.for %scan3A_92 = %scan3A_49 to %scan3A_51 step %scan3A_52  : i32 {
        %mul3A_93 = arith.constant 80 : i32
        %mul3A_94 = arith.muli %scan3A_92, %mul3A_93 : i32
        %add3A_95 = arith.constant 0 : i32
        %add3A_96 = arith.addi %mul3A_94, %add3A_95 : i32
        %multiple_of3A = tpu.assume_multiple %add3A_96, 16 : i32
        %get3A = arith.index_cast %multiple_of3A : i32 to index
        %get3A_97 = tpu.vector_load %arg10[%get3A] {strides = array<i32>} : memref<2000xi32, #tpu.memory_space<vmem>>, vector<16xi32>,
        %gather3A = tpu.vector_load_idx %arg9[%get3A_97] : memref<102400xf32, #tpu.memory_space<vmem>>[vector<16xi32>], vector<16xf32>,
        %swap3A = arith.index_cast %multiple_of3A : i32 to index
        %swap3A_98 = tpu.vector_load %arg14[%swap3A] {strides = array<i32>} : memref<2000xf32, #tpu.memory_space<vmem>>, vector<16xf32>,
        tpu.vector_store %arg14[%swap3A], %gather3A {strides = array<i32>} : memref<2000xf32, #tpu.memory_space<vmem>>, vector<16xf32>,
        %mul3A_99 = arith.constant 80 : i32
        %mul3A_100 = arith.muli %scan3A_92, %mul3A_99 : i32
        %add3A_101 = arith.constant 16 : i32
        %add3A_102 = arith.addi %mul3A_100, %add3A_101 : i32
        %multiple_of3A_103 = tpu.assume_multiple %add3A_102, 16 : i32
        %get3A_104 = arith.index_cast %multiple_of3A_103 : i32 to index
        %get3A_105 = tpu.vector_load %arg10[%get3A_104] {strides = array<i32>} : memref<2000xi32, #tpu.memory_space<vmem>>, vector<16xi32>,
        %gather3A_106 = tpu.vector_load_idx %arg9[%get3A_105] : memref<102400xf32, #tpu.memory_space<vmem>>[vector<16xi32>], vector<16xf32>,
        %swap3A_107 = arith.index_cast %multiple_of3A_103 : i32 to index
        %swap3A_108 = tpu.vector_load %arg14[%swap3A_107] {strides = array<i32>} : memref<2000xf32, #tpu.memory_space<vmem>>, vector<16xf32>,
        tpu.vector_store %arg14[%swap3A_107], %gather3A_106 {strides = array<i32>} : memref<2000xf32, #tpu.memory_space<vmem>>, vector<16xf32>,
        %mul3A_109 = arith.constant 80 : i32
        %mul3A_110 = arith.muli %scan3A_92, %mul3A_109 : i32
        %add3A_111 = arith.constant 32 : i32
        %add3A_112 = arith.addi %mul3A_110, %add3A_111 : i32
        %multiple_of3A_113 = tpu.assume_multiple %add3A_112, 16 : i32
        %get3A_114 = arith.index_cast %multiple_of3A_113 : i32 to index
        %get3A_115 = tpu.vector_load %arg10[%get3A_114] {strides = array<i32>} : memref<2000xi32, #tpu.memory_space<vmem>>, vector<16xi32>,
        %gather3A_116 = tpu.vector_load_idx %arg9[%get3A_115] : memref<102400xf32, #tpu.memory_space<vmem>>[vector<16xi32>], vector<16xf32>,
        %swap3A_117 = arith.index_cast %multiple_of3A_113 : i32 to index
        %swap3A_118 = tpu.vector_load %arg14[%swap3A_117] {strides = array<i32>} : memref<2000xf32, #tpu.memory_space<vmem>>, vector<16xf32>,
        tpu.vector_store %arg14[%swap3A_117], %gather3A_116 {strides = array<i32>} : memref<2000xf32, #tpu.memory_space<vmem>>, vector<16xf32>,
        %mul3A_119 = arith.constant 80 : i32
        %mul3A_120 = arith.muli %scan3A_92, %mul3A_119 : i32
        %add3A_121 = arith.constant 48 : i32
        %add3A_122 = arith.addi %mul3A_120, %add3A_121 : i32
        %multiple_of3A_123 = tpu.assume_multiple %add3A_122, 16 : i32
        %get3A_124 = arith.index_cast %multiple_of3A_123 : i32 to index
        %get3A_125 = tpu.vector_load %arg10[%get3A_124] {strides = array<i32>} : memref<2000xi32, #tpu.memory_space<vmem>>, vector<16xi32>,
        %gather3A_126 = tpu.vector_load_idx %arg9[%get3A_125] : memref<102400xf32, #tpu.memory_space<vmem>>[vector<16xi32>], vector<16xf32>,
        %swap3A_127 = arith.index_cast %multiple_of3A_123 : i32 to index
        %swap3A_128 = tpu.vector_load %arg14[%swap3A_127] {strides = array<i32>} : memref<2000xf32, #tpu.memory_space<vmem>>, vector<16xf32>,
        tpu.vector_store %arg14[%swap3A_127], %gather3A_126 {strides = array<i32>} : memref<2000xf32, #tpu.memory_space<vmem>>, vector<16xf32>,
        %mul3A_129 = arith.constant 80 : i32
        %mul3A_130 = arith.muli %scan3A_92, %mul3A_129 : i32
        %add3A_131 = arith.constant 64 : i32
        %add3A_132 = arith.addi %mul3A_130, %add3A_131 : i32
        %multiple_of3A_133 = tpu.assume_multiple %add3A_132, 16 : i32
        %get3A_134 = arith.index_cast %multiple_of3A_133 : i32 to index
        %get3A_135 = tpu.vector_load %arg10[%get3A_134] {strides = array<i32>} : memref<2000xi32, #tpu.memory_space<vmem>>, vector<16xi32>,
        %gather3A_136 = tpu.vector_load_idx %arg9[%get3A_135] : memref<102400xf32, #tpu.memory_space<vmem>>[vector<16xi32>], vector<16xf32>,
        %swap3A_137 = arith.index_cast %multiple_of3A_133 : i32 to index
        %swap3A_138 = tpu.vector_load %arg14[%swap3A_137] {strides = array<i32>} : memref<2000xf32, #tpu.memory_space<vmem>>, vector<16xf32>,
        tpu.vector_store %arg14[%swap3A_137], %gather3A_136 {strides = array<i32>} : memref<2000xf32, #tpu.memory_space<vmem>>, vector<16xf32>,
      }
      %scan3A_53 = arith.constant 25 : i32
      %gt3A = arith.constant 0 : i32
      %gt3A_54 = arith.cmpi sgt, %scan3A_38, %gt3A : i32
      %convert_element_type3A_55 = arith.extui %gt3A_54 : i1 to i32
      %cond3A_56 = arith.constant 0 : i32
      %cond3A_57 = arith.cmpi ne, %convert_element_type3A_55, %cond3A_56 : i32
      scf.if %cond3A_57 {
        %dma_wait3A_92 = arith.constant 0 : i32
        %dma_wait3A_93 = tpu.memref_slice %arg17[%dma_wait3A_92] : memref<102400xf32, #tpu.memory_space<vmem_shared>> -> memref<102400xf32, #tpu.memory_space<vmem_shared>>
        tpu.wait_indirect_dma semaphore(%arg21 : memref<!tpu.dma_semaphore, #tpu.memory_space<semaphore_mem>>) src(%arg15 : memref<2000xf32, #tpu.memory_space<vmem>>) dst(%dma_wait3A_93 : memref<102400xf32, #tpu.memory_space<vmem_shared>>)
      } else {
      }
      %dma_start3A_58 = arith.constant 0 : i32
      %dma_start3A_59 = tpu.memref_slice %arg17[%dma_start3A_58] : memref<102400xf32, #tpu.memory_space<vmem_shared>> -> memref<102400xf32, #tpu.memory_space<vmem_shared>>
      tpu.enqueue_indirect_dma source(%arg14 : memref<2000xf32, #tpu.memory_space<vmem>>) target(%dma_start3A_59 : memref<102400xf32, #tpu.memory_space<vmem_shared>>) offsets(%arg12 : memref<2000xi32, #tpu.memory_space<vmem>>) semaphore(%arg20 : memref<!tpu.dma_semaphore, #tpu.memory_space<semaphore_mem>>) {add = true}
      %add3A_60 = arith.constant 1 : i32
      %add3A_61 = arith.addi %mul3A_40, %add3A_60 : i32
      %mul3A_62 = arith.constant 2000 : i32
      %mul3A_63 = arith.muli %add3A_61, %mul3A_62 : i32
      %add3A_64 = arith.addi %mul3A_4, %mul3A_63 : i32
      %dma_start3A_65 = tpu.memref_slice %arg3[%add3A_64] : memref<6400000xi32, #tpu.memory_space<hbm>> -> memref<2000xi32, #tpu.memory_space<hbm>>
      %dma_start3A_66 = tpu.memref_slice %arg3[%add3A_64] : memref<6400000xi32, #tpu.memory_space<hbm>> -> memref<2000xi32, #tpu.memory_space<hbm>>
      tpu.enqueue_dma source(%dma_start3A_66 : memref<2000xi32, #tpu.memory_space<hbm>>) target(%arg11 : memref<2000xi32, #tpu.memory_space<vmem>>) target_semaphore(%arg19 : memref<!tpu.dma_semaphore, #tpu.memory_space<semaphore_mem>>)
      %dma_start3A_67 = tpu.memref_slice %arg2[%add3A_64] : memref<6400000xi32, #tpu.memory_space<hbm>> -> memref<2000xi32, #tpu.memory_space<hbm>>
      %dma_start3A_68 = tpu.memref_slice %arg2[%add3A_64] : memref<6400000xi32, #tpu.memory_space<hbm>> -> memref<2000xi32, #tpu.memory_space<hbm>>
      tpu.enqueue_dma source(%dma_start3A_68 : memref<2000xi32, #tpu.memory_space<hbm>>) target(%arg13 : memref<2000xi32, #tpu.memory_space<vmem>>) target_semaphore(%arg19 : memref<!tpu.dma_semaphore, #tpu.memory_space<semaphore_mem>>)
      %add3A_69 = arith.constant 1 : i32
      %add3A_70 = arith.addi %mul3A_40, %add3A_69 : i32
      %mul3A_71 = arith.constant 2000 : i32
      %mul3A_72 = arith.muli %add3A_70, %mul3A_71 : i32
      %add3A_73 = arith.addi %mul3A_4, %mul3A_72 : i32
      %dma_wait3A_74 = tpu.memref_slice %arg3[%add3A_73] : memref<6400000xi32, #tpu.memory_space<hbm>> -> memref<2000xi32, #tpu.memory_space<hbm>>
      %dma_wait3A_75 = tpu.memref_slice %arg3[%add3A_73] : memref<6400000xi32, #tpu.memory_space<hbm>> -> memref<2000xi32, #tpu.memory_space<hbm>>
      tpu.wait_dma2 semaphore(%arg19 : memref<!tpu.dma_semaphore, #tpu.memory_space<semaphore_mem>>) src(%dma_wait3A_75 : memref<2000xi32, #tpu.memory_space<hbm>>) dst(%arg11 : memref<2000xi32, #tpu.memory_space<vmem>>)
      %dma_wait3A_76 = tpu.memref_slice %arg2[%add3A_73] : memref<6400000xi32, #tpu.memory_space<hbm>> -> memref<2000xi32, #tpu.memory_space<hbm>>
      %dma_wait3A_77 = tpu.memref_slice %arg2[%add3A_73] : memref<6400000xi32, #tpu.memory_space<hbm>> -> memref<2000xi32, #tpu.memory_space<hbm>>
      tpu.wait_dma2 semaphore(%arg19 : memref<!tpu.dma_semaphore, #tpu.memory_space<semaphore_mem>>) src(%dma_wait3A_77 : memref<2000xi32, #tpu.memory_space<hbm>>) dst(%arg13 : memref<2000xi32, #tpu.memory_space<vmem>>)
      %scan3A_78 = arith.constant 0 : i32
      %scan3A_79 = arith.constant 0 : i32
      %scan3A_80 = arith.constant 25 : i32
      %scan3A_81 = arith.addi %scan3A_79, %scan3A_80 : i32
      %scan3A_82 = arith.constant 1 : i32
      scf.for %scan3A_92 = %scan3A_79 to %scan3A_81 step %scan3A_82  : i32 {
        %mul3A_93 = arith.constant 80 : i32
        %mul3A_94 = arith.muli %scan3A_92, %mul3A_93 : i32
        %add3A_95 = arith.constant 0 : i32
        %add3A_96 = arith.addi %mul3A_94, %add3A_95 : i32
        %multiple_of3A = tpu.assume_multiple %add3A_96, 16 : i32
        %get3A = arith.index_cast %multiple_of3A : i32 to index
        %get3A_97 = tpu.vector_load %arg11[%get3A] {strides = array<i32>} : memref<2000xi32, #tpu.memory_space<vmem>>, vector<16xi32>,
        %gather3A = tpu.vector_load_idx %arg9[%get3A_97] : memref<102400xf32, #tpu.memory_space<vmem>>[vector<16xi32>], vector<16xf32>,
        %swap3A = arith.index_cast %multiple_of3A : i32 to index
        %swap3A_98 = tpu.vector_load %arg15[%swap3A] {strides = array<i32>} : memref<2000xf32, #tpu.memory_space<vmem>>, vector<16xf32>,
        tpu.vector_store %arg15[%swap3A], %gather3A {strides = array<i32>} : memref<2000xf32, #tpu.memory_space<vmem>>, vector<16xf32>,
        %mul3A_99 = arith.constant 80 : i32
        %mul3A_100 = arith.muli %scan3A_92, %mul3A_99 : i32
        %add3A_101 = arith.constant 16 : i32
        %add3A_102 = arith.addi %mul3A_100, %add3A_101 : i32
        %multiple_of3A_103 = tpu.assume_multiple %add3A_102, 16 : i32
        %get3A_104 = arith.index_cast %multiple_of3A_103 : i32 to index
        %get3A_105 = tpu.vector_load %arg11[%get3A_104] {strides = array<i32>} : memref<2000xi32, #tpu.memory_space<vmem>>, vector<16xi32>,
        %gather3A_106 = tpu.vector_load_idx %arg9[%get3A_105] : memref<102400xf32, #tpu.memory_space<vmem>>[vector<16xi32>], vector<16xf32>,
        %swap3A_107 = arith.index_cast %multiple_of3A_103 : i32 to index
        %swap3A_108 = tpu.vector_load %arg15[%swap3A_107] {strides = array<i32>} : memref<2000xf32, #tpu.memory_space<vmem>>, vector<16xf32>,
        tpu.vector_store %arg15[%swap3A_107], %gather3A_106 {strides = array<i32>} : memref<2000xf32, #tpu.memory_space<vmem>>, vector<16xf32>,
        %mul3A_109 = arith.constant 80 : i32
        %mul3A_110 = arith.muli %scan3A_92, %mul3A_109 : i32
        %add3A_111 = arith.constant 32 : i32
        %add3A_112 = arith.addi %mul3A_110, %add3A_111 : i32
        %multiple_of3A_113 = tpu.assume_multiple %add3A_112, 16 : i32
        %get3A_114 = arith.index_cast %multiple_of3A_113 : i32 to index
        %get3A_115 = tpu.vector_load %arg11[%get3A_114] {strides = array<i32>} : memref<2000xi32, #tpu.memory_space<vmem>>, vector<16xi32>,
        %gather3A_116 = tpu.vector_load_idx %arg9[%get3A_115] : memref<102400xf32, #tpu.memory_space<vmem>>[vector<16xi32>], vector<16xf32>,
        %swap3A_117 = arith.index_cast %multiple_of3A_113 : i32 to index
        %swap3A_118 = tpu.vector_load %arg15[%swap3A_117] {strides = array<i32>} : memref<2000xf32, #tpu.memory_space<vmem>>, vector<16xf32>,
        tpu.vector_store %arg15[%swap3A_117], %gather3A_116 {strides = array<i32>} : memref<2000xf32, #tpu.memory_space<vmem>>, vector<16xf32>,
        %mul3A_119 = arith.constant 80 : i32
        %mul3A_120 = arith.muli %scan3A_92, %mul3A_119 : i32
        %add3A_121 = arith.constant 48 : i32
        %add3A_122 = arith.addi %mul3A_120, %add3A_121 : i32
        %multiple_of3A_123 = tpu.assume_multiple %add3A_122, 16 : i32
        %get3A_124 = arith.index_cast %multiple_of3A_123 : i32 to index
        %get3A_125 = tpu.vector_load %arg11[%get3A_124] {strides = array<i32>} : memref<2000xi32, #tpu.memory_space<vmem>>, vector<16xi32>,
        %gather3A_126 = tpu.vector_load_idx %arg9[%get3A_125] : memref<102400xf32, #tpu.memory_space<vmem>>[vector<16xi32>], vector<16xf32>,
        %swap3A_127 = arith.index_cast %multiple_of3A_123 : i32 to index
        %swap3A_128 = tpu.vector_load %arg15[%swap3A_127] {strides = array<i32>} : memref<2000xf32, #tpu.memory_space<vmem>>, vector<16xf32>,
        tpu.vector_store %arg15[%swap3A_127], %gather3A_126 {strides = array<i32>} : memref<2000xf32, #tpu.memory_space<vmem>>, vector<16xf32>,
        %mul3A_129 = arith.constant 80 : i32
        %mul3A_130 = arith.muli %scan3A_92, %mul3A_129 : i32
        %add3A_131 = arith.constant 64 : i32
        %add3A_132 = arith.addi %mul3A_130, %add3A_131 : i32
        %multiple_of3A_133 = tpu.assume_multiple %add3A_132, 16 : i32
        %get3A_134 = arith.index_cast %multiple_of3A_133 : i32 to index
        %get3A_135 = tpu.vector_load %arg11[%get3A_134] {strides = array<i32>} : memref<2000xi32, #tpu.memory_space<vmem>>, vector<16xi32>,
        %gather3A_136 = tpu.vector_load_idx %arg9[%get3A_135] : memref<102400xf32, #tpu.memory_space<vmem>>[vector<16xi32>], vector<16xf32>,
        %swap3A_137 = arith.index_cast %multiple_of3A_133 : i32 to index
        %swap3A_138 = tpu.vector_load %arg15[%swap3A_137] {strides = array<i32>} : memref<2000xf32, #tpu.memory_space<vmem>>, vector<16xf32>,
        tpu.vector_store %arg15[%swap3A_137], %gather3A_136 {strides = array<i32>} : memref<2000xf32, #tpu.memory_space<vmem>>, vector<16xf32>,
      }
      %scan3A_83 = arith.constant 25 : i32
      %dma_wait3A_84 = arith.constant 0 : i32
      %dma_wait3A_85 = tpu.memref_slice %arg17[%dma_wait3A_84] : memref<102400xf32, #tpu.memory_space<vmem_shared>> -> memref<102400xf32, #tpu.memory_space<vmem_shared>>
      tpu.wait_indirect_dma semaphore(%arg20 : memref<!tpu.dma_semaphore, #tpu.memory_space<semaphore_mem>>) src(%arg14 : memref<2000xf32, #tpu.memory_space<vmem>>) dst(%dma_wait3A_85 : memref<102400xf32, #tpu.memory_space<vmem_shared>>)
      %dma_start3A_86 = arith.constant 0 : i32
      %dma_start3A_87 = tpu.memref_slice %arg17[%dma_start3A_86] : memref<102400xf32, #tpu.memory_space<vmem_shared>> -> memref<102400xf32, #tpu.memory_space<vmem_shared>>
      tpu.enqueue_indirect_dma source(%arg15 : memref<2000xf32, #tpu.memory_space<vmem>>) target(%dma_start3A_87 : memref<102400xf32, #tpu.memory_space<vmem_shared>>) offsets(%arg13 : memref<2000xi32, #tpu.memory_space<vmem>>) semaphore(%arg21 : memref<!tpu.dma_semaphore, #tpu.memory_space<semaphore_mem>>) {add = true}
      %lt3A = arith.constant 49 : i32
      %lt3A_88 = arith.cmpi slt, %scan3A_38, %lt3A : i32
      %convert_element_type3A_89 = arith.extui %lt3A_88 : i1 to i32
      %cond3A_90 = arith.constant 0 : i32
      %cond3A_91 = arith.cmpi ne, %convert_element_type3A_89, %cond3A_90 : i32
      scf.if %cond3A_91 {
        %add3A_92 = arith.constant 2 : i32
        %add3A_93 = arith.addi %mul3A_40, %add3A_92 : i32
        %mul3A_94 = arith.constant 2000 : i32
        %mul3A_95 = arith.muli %add3A_93, %mul3A_94 : i32
        %add3A_96 = arith.addi %mul3A_4, %mul3A_95 : i32
        %dma_start3A_97 = tpu.memref_slice %arg3[%add3A_96] : memref<6400000xi32, #tpu.memory_space<hbm>> -> memref<2000xi32, #tpu.memory_space<hbm>>
        %dma_start3A_98 = tpu.memref_slice %arg3[%add3A_96] : memref<6400000xi32, #tpu.memory_space<hbm>> -> memref<2000xi32, #tpu.memory_space<hbm>>
        tpu.enqueue_dma source(%dma_start3A_98 : memref<2000xi32, #tpu.memory_space<hbm>>) target(%arg10 : memref<2000xi32, #tpu.memory_space<vmem>>) target_semaphore(%arg18 : memref<!tpu.dma_semaphore, #tpu.memory_space<semaphore_mem>>)
        %dma_start3A_99 = tpu.memref_slice %arg2[%add3A_96] : memref<6400000xi32, #tpu.memory_space<hbm>> -> memref<2000xi32, #tpu.memory_space<hbm>>
        %dma_start3A_100 = tpu.memref_slice %arg2[%add3A_96] : memref<6400000xi32, #tpu.memory_space<hbm>> -> memref<2000xi32, #tpu.memory_space<hbm>>
        tpu.enqueue_dma source(%dma_start3A_100 : memref<2000xi32, #tpu.memory_space<hbm>>) target(%arg12 : memref<2000xi32, #tpu.memory_space<vmem>>) target_semaphore(%arg18 : memref<!tpu.dma_semaphore, #tpu.memory_space<semaphore_mem>>)
      } else {
      }
    }
    %scan3A_27 = arith.constant 50 : i32
    %dma_wait3A_28 = arith.constant 0 : i32
    %dma_wait3A_29 = tpu.memref_slice %arg17[%dma_wait3A_28] : memref<102400xf32, #tpu.memory_space<vmem_shared>> -> memref<102400xf32, #tpu.memory_space<vmem_shared>>
    tpu.wait_indirect_dma semaphore(%arg21 : memref<!tpu.dma_semaphore, #tpu.memory_space<semaphore_mem>>) src(%arg15 : memref<2000xf32, #tpu.memory_space<vmem>>) dst(%dma_wait3A_29 : memref<102400xf32, #tpu.memory_space<vmem_shared>>)
    %barrier3A_30 = arith.constant 0 : index
    tpu.barrier barrier_id(%barrier3A_30)
    %mul3A_31 = arith.constant 6400 : i32
    %mul3A_32 = arith.muli %arg1, %mul3A_31 : i32
    %mul3A_33 = arith.constant 102400 : i32
    %mul3A_34 = arith.muli %arg0, %mul3A_33 : i32
    %mul3A_35 = arith.constant 6400 : i32
    %mul3A_36 = arith.muli %arg1, %mul3A_35 : i32
    %add3A_37 = arith.addi %mul3A_34, %mul3A_36 : i32
    "tpu.region"() ({
      %run_scoped3A = tpu.sem_alloc : memref<!tpu.dma_semaphore, #tpu.memory_space<semaphore_mem>>
      %dma_start3A_38 = tpu.memref_slice %arg7[%add3A_37] : memref<204800xf32, #tpu.memory_space<hbm>> -> memref<6400xf32, #tpu.memory_space<hbm>>
      %dma_start3A_39 = tpu.memref_slice %arg16[%mul3A_32] : memref<102400xf32, #tpu.memory_space<vmem_shared>> -> memref<6400xf32, #tpu.memory_space<vmem_shared>>
      tpu.enqueue_dma source(%dma_start3A_39 : memref<6400xf32, #tpu.memory_space<vmem_shared>>) target(%dma_start3A_38 : memref<6400xf32, #tpu.memory_space<hbm>>) target_semaphore(%run_scoped3A : memref<!tpu.dma_semaphore, #tpu.memory_space<semaphore_mem>>)
      %dma_wait3A_40 = tpu.memref_slice %arg7[%add3A_37] : memref<204800xf32, #tpu.memory_space<hbm>> -> memref<6400xf32, #tpu.memory_space<hbm>>
      %dma_wait3A_41 = tpu.memref_slice %arg16[%mul3A_32] : memref<102400xf32, #tpu.memory_space<vmem_shared>> -> memref<6400xf32, #tpu.memory_space<vmem_shared>>
      tpu.wait_dma2 semaphore(%run_scoped3A : memref<!tpu.dma_semaphore, #tpu.memory_space<semaphore_mem>>) src(%dma_wait3A_41 : memref<6400xf32, #tpu.memory_space<vmem_shared>>) dst(%dma_wait3A_40 : memref<6400xf32, #tpu.memory_space<hbm>>)
      tpu.yield
    }) : () -> ()
    "tpu.region"() ({
      %run_scoped3A = tpu.sem_alloc : memref<!tpu.dma_semaphore, #tpu.memory_space<semaphore_mem>>
      %dma_start3A_38 = tpu.memref_slice %arg8[%add3A_37] : memref<204800xf32, #tpu.memory_space<hbm>> -> memref<6400xf32, #tpu.memory_space<hbm>>
      %dma_start3A_39 = tpu.memref_slice %arg17[%mul3A_32] : memref<102400xf32, #tpu.memory_space<vmem_shared>> -> memref<6400xf32, #tpu.memory_space<vmem_shared>>
      tpu.enqueue_dma source(%dma_start3A_39 : memref<6400xf32, #tpu.memory_space<vmem_shared>>) target(%dma_start3A_38 : memref<6400xf32, #tpu.memory_space<hbm>>) target_semaphore(%run_scoped3A : memref<!tpu.dma_semaphore, #tpu.memory_space<semaphore_mem>>)
      %dma_wait3A_40 = tpu.memref_slice %arg8[%add3A_37] : memref<204800xf32, #tpu.memory_space<hbm>> -> memref<6400xf32, #tpu.memory_space<hbm>>
      %dma_wait3A_41 = tpu.memref_slice %arg17[%mul3A_32] : memref<102400xf32, #tpu.memory_space<vmem_shared>> -> memref<6400xf32, #tpu.memory_space<vmem_shared>>
      tpu.wait_dma2 semaphore(%run_scoped3A : memref<!tpu.dma_semaphore, #tpu.memory_space<semaphore_mem>>) src(%dma_wait3A_41 : memref<6400xf32, #tpu.memory_space<vmem_shared>>) dst(%dma_wait3A_40 : memref<6400xf32, #tpu.memory_space<hbm>>)
      tpu.yield
    }) : () -> ()
    return
  }
}

#map = affine_map<(d0, d1) -> (0)>
module attributes {stable_mosaic.version = 14 : i64} {
  func.func @_hist(%arg0: i32, %arg1: i32, %arg2: memref<6400000xi32, #tpu.memory_space<hbm>>, %arg3: memref<102400xf32, #tpu.memory_space<hbm>>, %arg4: memref<3276800xf32, #tpu.memory_space<hbm>>, %arg5: memref<102400xf32, #tpu.memory_space<vmem>>, %arg6: memref<4000xi32, #tpu.memory_space<vmem>>, %arg7: memref<4000xi32, #tpu.memory_space<vmem>>, %arg8: memref<!tpu.dma_semaphore, #tpu.memory_space<semaphore_mem>>, %arg9: memref<!tpu.dma_semaphore, #tpu.memory_space<semaphore_mem>>, %arg10: memref<!tpu.dma_semaphore, #tpu.memory_space<semaphore_mem>>) attributes {dimension_semantics = [#tpu.dimension_semantics<core_parallel>, #tpu.dimension_semantics<subcore_parallel>], iteration_bounds = array<i64: 2, 16>, scalar_prefetch = 0 : i64, scratch_operands = 6 : i64, tpu.core_type = #tpu.core_type<sc_vector_subcore>, window_params = [{transform_indices = #map}, {transform_indices = #map}, {transform_indices = #map}]} {
    %mul3A = arith.constant 16 : i32
    %mul3A_0 = arith.muli %arg0, %mul3A : i32
    %add3A = arith.addi %mul3A_0, %arg1 : i32
    %mul3A_1 = arith.constant 200000 : i32
    %mul3A_2 = arith.muli %add3A, %mul3A_1 : i32
    tpu.enqueue_dma source(%arg3 : memref<102400xf32, #tpu.memory_space<hbm>>) target(%arg5 : memref<102400xf32, #tpu.memory_space<vmem>>) target_semaphore(%arg8 : memref<!tpu.dma_semaphore, #tpu.memory_space<semaphore_mem>>)
    %add3A_3 = arith.constant 0 : i32
    %add3A_4 = arith.addi %mul3A_2, %add3A_3 : i32
    %dma_start3A = tpu.memref_slice %arg2[%add3A_4] : memref<6400000xi32, #tpu.memory_space<hbm>> -> memref<4000xi32, #tpu.memory_space<hbm>>
    %dma_start3A_5 = tpu.memref_slice %arg2[%add3A_4] : memref<6400000xi32, #tpu.memory_space<hbm>> -> memref<4000xi32, #tpu.memory_space<hbm>>
    tpu.enqueue_dma source(%dma_start3A_5 : memref<4000xi32, #tpu.memory_space<hbm>>) target(%arg6 : memref<4000xi32, #tpu.memory_space<vmem>>) target_semaphore(%arg9 : memref<!tpu.dma_semaphore, #tpu.memory_space<semaphore_mem>>)
    tpu.wait_dma2 semaphore(%arg8 : memref<!tpu.dma_semaphore, #tpu.memory_space<semaphore_mem>>) src(%arg3 : memref<102400xf32, #tpu.memory_space<hbm>>) dst(%arg5 : memref<102400xf32, #tpu.memory_space<vmem>>)
    %broadcast_in_dim3A = arith.constant 1.000000e+00 : f32
    %broadcast_in_dim3A_6 = vector.broadcast %broadcast_in_dim3A : f32 to vector<16xf32>
    %scan3A = arith.constant 0 : i32
    %scan3A_7 = arith.constant 0 : i32
    %scan3A_8 = arith.constant 25 : i32
    %scan3A_9 = arith.addi %scan3A_7, %scan3A_8 : i32
    %scan3A_10 = arith.constant 1 : i32
    scf.for %scan3A_14 = %scan3A_7 to %scan3A_9 step %scan3A_10  : i32 {
      %mul3A_15 = arith.constant 2 : i32
      %mul3A_16 = arith.muli %scan3A_14, %mul3A_15 : i32
      %mul3A_17 = arith.constant 4000 : i32
      %mul3A_18 = arith.muli %mul3A_16, %mul3A_17 : i32
      %add3A_19 = arith.addi %mul3A_2, %mul3A_18 : i32
      %dma_wait3A = tpu.memref_slice %arg2[%add3A_19] : memref<6400000xi32, #tpu.memory_space<hbm>> -> memref<4000xi32, #tpu.memory_space<hbm>>
      %dma_wait3A_20 = tpu.memref_slice %arg2[%add3A_19] : memref<6400000xi32, #tpu.memory_space<hbm>> -> memref<4000xi32, #tpu.memory_space<hbm>>
      tpu.wait_dma2 semaphore(%arg9 : memref<!tpu.dma_semaphore, #tpu.memory_space<semaphore_mem>>) src(%dma_wait3A_20 : memref<4000xi32, #tpu.memory_space<hbm>>) dst(%arg6 : memref<4000xi32, #tpu.memory_space<vmem>>)
      %add3A_21 = arith.constant 1 : i32
      %add3A_22 = arith.addi %mul3A_16, %add3A_21 : i32
      %mul3A_23 = arith.constant 4000 : i32
      %mul3A_24 = arith.muli %add3A_22, %mul3A_23 : i32
      %add3A_25 = arith.addi %mul3A_2, %mul3A_24 : i32
      %dma_start3A_26 = tpu.memref_slice %arg2[%add3A_25] : memref<6400000xi32, #tpu.memory_space<hbm>> -> memref<4000xi32, #tpu.memory_space<hbm>>
      %dma_start3A_27 = tpu.memref_slice %arg2[%add3A_25] : memref<6400000xi32, #tpu.memory_space<hbm>> -> memref<4000xi32, #tpu.memory_space<hbm>>
      tpu.enqueue_dma source(%dma_start3A_27 : memref<4000xi32, #tpu.memory_space<hbm>>) target(%arg7 : memref<4000xi32, #tpu.memory_space<vmem>>) target_semaphore(%arg10 : memref<!tpu.dma_semaphore, #tpu.memory_space<semaphore_mem>>)
      %scan3A_28 = arith.constant 0 : i32
      %scan3A_29 = arith.constant 0 : i32
      %scan3A_30 = arith.constant 50 : i32
      %scan3A_31 = arith.addi %scan3A_29, %scan3A_30 : i32
      %scan3A_32 = arith.constant 1 : i32
      scf.for %scan3A_49 = %scan3A_29 to %scan3A_31 step %scan3A_32  : i32 {
        %mul3A_50 = arith.constant 80 : i32
        %mul3A_51 = arith.muli %scan3A_49, %mul3A_50 : i32
        %add3A_52 = arith.constant 0 : i32
        %add3A_53 = arith.addi %mul3A_51, %add3A_52 : i32
        %multiple_of3A = tpu.assume_multiple %add3A_53, 16 : i32
        %get3A = arith.index_cast %multiple_of3A : i32 to index
        %get3A_54 = tpu.vector_load %arg6[%get3A] {strides = array<i32>} : memref<4000xi32, #tpu.memory_space<vmem>>, vector<16xi32>,
        tpu.vector_store_idx %arg5[%get3A_54], %broadcast_in_dim3A_6 {add = true} : memref<102400xf32, #tpu.memory_space<vmem>>[vector<16xi32>], vector<16xf32>,
        %mul3A_55 = arith.constant 80 : i32
        %mul3A_56 = arith.muli %scan3A_49, %mul3A_55 : i32
        %add3A_57 = arith.constant 16 : i32
        %add3A_58 = arith.addi %mul3A_56, %add3A_57 : i32
        %multiple_of3A_59 = tpu.assume_multiple %add3A_58, 16 : i32
        %get3A_60 = arith.index_cast %multiple_of3A_59 : i32 to index
        %get3A_61 = tpu.vector_load %arg6[%get3A_60] {strides = array<i32>} : memref<4000xi32, #tpu.memory_space<vmem>>, vector<16xi32>,
        tpu.vector_store_idx %arg5[%get3A_61], %broadcast_in_dim3A_6 {add = true} : memref<102400xf32, #tpu.memory_space<vmem>>[vector<16xi32>], vector<16xf32>,
        %mul3A_62 = arith.constant 80 : i32
        %mul3A_63 = arith.muli %scan3A_49, %mul3A_62 : i32
        %add3A_64 = arith.constant 32 : i32
        %add3A_65 = arith.addi %mul3A_63, %add3A_64 : i32
        %multiple_of3A_66 = tpu.assume_multiple %add3A_65, 16 : i32
        %get3A_67 = arith.index_cast %multiple_of3A_66 : i32 to index
        %get3A_68 = tpu.vector_load %arg6[%get3A_67] {strides = array<i32>} : memref<4000xi32, #tpu.memory_space<vmem>>, vector<16xi32>,
        tpu.vector_store_idx %arg5[%get3A_68], %broadcast_in_dim3A_6 {add = true} : memref<102400xf32, #tpu.memory_space<vmem>>[vector<16xi32>], vector<16xf32>,
        %mul3A_69 = arith.constant 80 : i32
        %mul3A_70 = arith.muli %scan3A_49, %mul3A_69 : i32
        %add3A_71 = arith.constant 48 : i32
        %add3A_72 = arith.addi %mul3A_70, %add3A_71 : i32
        %multiple_of3A_73 = tpu.assume_multiple %add3A_72, 16 : i32
        %get3A_74 = arith.index_cast %multiple_of3A_73 : i32 to index
        %get3A_75 = tpu.vector_load %arg6[%get3A_74] {strides = array<i32>} : memref<4000xi32, #tpu.memory_space<vmem>>, vector<16xi32>,
        tpu.vector_store_idx %arg5[%get3A_75], %broadcast_in_dim3A_6 {add = true} : memref<102400xf32, #tpu.memory_space<vmem>>[vector<16xi32>], vector<16xf32>,
        %mul3A_76 = arith.constant 80 : i32
        %mul3A_77 = arith.muli %scan3A_49, %mul3A_76 : i32
        %add3A_78 = arith.constant 64 : i32
        %add3A_79 = arith.addi %mul3A_77, %add3A_78 : i32
        %multiple_of3A_80 = tpu.assume_multiple %add3A_79, 16 : i32
        %get3A_81 = arith.index_cast %multiple_of3A_80 : i32 to index
        %get3A_82 = tpu.vector_load %arg6[%get3A_81] {strides = array<i32>} : memref<4000xi32, #tpu.memory_space<vmem>>, vector<16xi32>,
        tpu.vector_store_idx %arg5[%get3A_82], %broadcast_in_dim3A_6 {add = true} : memref<102400xf32, #tpu.memory_space<vmem>>[vector<16xi32>], vector<16xf32>,
      }
      %scan3A_33 = arith.constant 50 : i32
      %add3A_34 = arith.constant 1 : i32
      %add3A_35 = arith.addi %mul3A_16, %add3A_34 : i32
      %mul3A_36 = arith.constant 4000 : i32
      %mul3A_37 = arith.muli %add3A_35, %mul3A_36 : i32
      %add3A_38 = arith.addi %mul3A_2, %mul3A_37 : i32
      %dma_wait3A_39 = tpu.memref_slice %arg2[%add3A_38] : memref<6400000xi32, #tpu.memory_space<hbm>> -> memref<4000xi32, #tpu.memory_space<hbm>>
      %dma_wait3A_40 = tpu.memref_slice %arg2[%add3A_38] : memref<6400000xi32, #tpu.memory_space<hbm>> -> memref<4000xi32, #tpu.memory_space<hbm>>
      tpu.wait_dma2 semaphore(%arg10 : memref<!tpu.dma_semaphore, #tpu.memory_space<semaphore_mem>>) src(%dma_wait3A_40 : memref<4000xi32, #tpu.memory_space<hbm>>) dst(%arg7 : memref<4000xi32, #tpu.memory_space<vmem>>)
      %lt3A = arith.constant 24 : i32
      %lt3A_41 = arith.cmpi slt, %scan3A_14, %lt3A : i32
      %convert_element_type3A = arith.extui %lt3A_41 : i1 to i32
      %cond3A = arith.constant 0 : i32
      %cond3A_42 = arith.cmpi ne, %convert_element_type3A, %cond3A : i32
      scf.if %cond3A_42 {
        %add3A_49 = arith.constant 2 : i32
        %add3A_50 = arith.addi %mul3A_16, %add3A_49 : i32
        %mul3A_51 = arith.constant 4000 : i32
        %mul3A_52 = arith.muli %add3A_50, %mul3A_51 : i32
        %add3A_53 = arith.addi %mul3A_2, %mul3A_52 : i32
        %dma_start3A_54 = tpu.memref_slice %arg2[%add3A_53] : memref<6400000xi32, #tpu.memory_space<hbm>> -> memref<4000xi32, #tpu.memory_space<hbm>>
        %dma_start3A_55 = tpu.memref_slice %arg2[%add3A_53] : memref<6400000xi32, #tpu.memory_space<hbm>> -> memref<4000xi32, #tpu.memory_space<hbm>>
        tpu.enqueue_dma source(%dma_start3A_55 : memref<4000xi32, #tpu.memory_space<hbm>>) target(%arg6 : memref<4000xi32, #tpu.memory_space<vmem>>) target_semaphore(%arg9 : memref<!tpu.dma_semaphore, #tpu.memory_space<semaphore_mem>>)
      } else {
      }
      %scan3A_43 = arith.constant 0 : i32
      %scan3A_44 = arith.constant 0 : i32
      %scan3A_45 = arith.constant 50 : i32
      %scan3A_46 = arith.addi %scan3A_44, %scan3A_45 : i32
      %scan3A_47 = arith.constant 1 : i32
      scf.for %scan3A_49 = %scan3A_44 to %scan3A_46 step %scan3A_47  : i32 {
        %mul3A_50 = arith.constant 80 : i32
        %mul3A_51 = arith.muli %scan3A_49, %mul3A_50 : i32
        %add3A_52 = arith.constant 0 : i32
        %add3A_53 = arith.addi %mul3A_51, %add3A_52 : i32
        %multiple_of3A = tpu.assume_multiple %add3A_53, 16 : i32
        %get3A = arith.index_cast %multiple_of3A : i32 to index
        %get3A_54 = tpu.vector_load %arg7[%get3A] {strides = array<i32>} : memref<4000xi32, #tpu.memory_space<vmem>>, vector<16xi32>,
        tpu.vector_store_idx %arg5[%get3A_54], %broadcast_in_dim3A_6 {add = true} : memref<102400xf32, #tpu.memory_space<vmem>>[vector<16xi32>], vector<16xf32>,
        %mul3A_55 = arith.constant 80 : i32
        %mul3A_56 = arith.muli %scan3A_49, %mul3A_55 : i32
        %add3A_57 = arith.constant 16 : i32
        %add3A_58 = arith.addi %mul3A_56, %add3A_57 : i32
        %multiple_of3A_59 = tpu.assume_multiple %add3A_58, 16 : i32
        %get3A_60 = arith.index_cast %multiple_of3A_59 : i32 to index
        %get3A_61 = tpu.vector_load %arg7[%get3A_60] {strides = array<i32>} : memref<4000xi32, #tpu.memory_space<vmem>>, vector<16xi32>,
        tpu.vector_store_idx %arg5[%get3A_61], %broadcast_in_dim3A_6 {add = true} : memref<102400xf32, #tpu.memory_space<vmem>>[vector<16xi32>], vector<16xf32>,
        %mul3A_62 = arith.constant 80 : i32
        %mul3A_63 = arith.muli %scan3A_49, %mul3A_62 : i32
        %add3A_64 = arith.constant 32 : i32
        %add3A_65 = arith.addi %mul3A_63, %add3A_64 : i32
        %multiple_of3A_66 = tpu.assume_multiple %add3A_65, 16 : i32
        %get3A_67 = arith.index_cast %multiple_of3A_66 : i32 to index
        %get3A_68 = tpu.vector_load %arg7[%get3A_67] {strides = array<i32>} : memref<4000xi32, #tpu.memory_space<vmem>>, vector<16xi32>,
        tpu.vector_store_idx %arg5[%get3A_68], %broadcast_in_dim3A_6 {add = true} : memref<102400xf32, #tpu.memory_space<vmem>>[vector<16xi32>], vector<16xf32>,
        %mul3A_69 = arith.constant 80 : i32
        %mul3A_70 = arith.muli %scan3A_49, %mul3A_69 : i32
        %add3A_71 = arith.constant 48 : i32
        %add3A_72 = arith.addi %mul3A_70, %add3A_71 : i32
        %multiple_of3A_73 = tpu.assume_multiple %add3A_72, 16 : i32
        %get3A_74 = arith.index_cast %multiple_of3A_73 : i32 to index
        %get3A_75 = tpu.vector_load %arg7[%get3A_74] {strides = array<i32>} : memref<4000xi32, #tpu.memory_space<vmem>>, vector<16xi32>,
        tpu.vector_store_idx %arg5[%get3A_75], %broadcast_in_dim3A_6 {add = true} : memref<102400xf32, #tpu.memory_space<vmem>>[vector<16xi32>], vector<16xf32>,
        %mul3A_76 = arith.constant 80 : i32
        %mul3A_77 = arith.muli %scan3A_49, %mul3A_76 : i32
        %add3A_78 = arith.constant 64 : i32
        %add3A_79 = arith.addi %mul3A_77, %add3A_78 : i32
        %multiple_of3A_80 = tpu.assume_multiple %add3A_79, 16 : i32
        %get3A_81 = arith.index_cast %multiple_of3A_80 : i32 to index
        %get3A_82 = tpu.vector_load %arg7[%get3A_81] {strides = array<i32>} : memref<4000xi32, #tpu.memory_space<vmem>>, vector<16xi32>,
        tpu.vector_store_idx %arg5[%get3A_82], %broadcast_in_dim3A_6 {add = true} : memref<102400xf32, #tpu.memory_space<vmem>>[vector<16xi32>], vector<16xf32>,
      }
      %scan3A_48 = arith.constant 50 : i32
    }
    %scan3A_11 = arith.constant 25 : i32
    %mul3A_12 = arith.constant 102400 : i32
    %mul3A_13 = arith.muli %add3A, %mul3A_12 : i32
    "tpu.region"() ({
      %run_scoped3A = tpu.sem_alloc : memref<!tpu.dma_semaphore, #tpu.memory_space<semaphore_mem>>
      %dma_start3A_14 = tpu.memref_slice %arg4[%mul3A_13] : memref<3276800xf32, #tpu.memory_space<hbm>> -> memref<102400xf32, #tpu.memory_space<hbm>>
      %dma_start3A_15 = tpu.memref_slice %arg4[%mul3A_13] : memref<3276800xf32, #tpu.memory_space<hbm>> -> memref<102400xf32, #tpu.memory_space<hbm>>
      tpu.enqueue_dma source(%arg5 : memref<102400xf32, #tpu.memory_space<vmem>>) target(%dma_start3A_15 : memref<102400xf32, #tpu.memory_space<hbm>>) target_semaphore(%run_scoped3A : memref<!tpu.dma_semaphore, #tpu.memory_space<semaphore_mem>>)
      %dma_wait3A = tpu.memref_slice %arg4[%mul3A_13] : memref<3276800xf32, #tpu.memory_space<hbm>> -> memref<102400xf32, #tpu.memory_space<hbm>>
      %dma_wait3A_16 = tpu.memref_slice %arg4[%mul3A_13] : memref<3276800xf32, #tpu.memory_space<hbm>> -> memref<102400xf32, #tpu.memory_space<hbm>>
      tpu.wait_dma2 semaphore(%run_scoped3A : memref<!tpu.dma_semaphore, #tpu.memory_space<semaphore_mem>>) src(%arg5 : memref<102400xf32, #tpu.memory_space<vmem>>) dst(%dma_wait3A_16 : memref<102400xf32, #tpu.memory_space<hbm>>)
      tpu.yield
    }) : () -> ()
    return
  }
}

module attributes {stable_mosaic.version = 14 : i64} {
  func.func @_final_body(%arg0: memref<102400xf32, #tpu.memory_space<vmem>>, %arg1: memref<102400xf32, #tpu.memory_space<vmem>>, %arg2: memref<204800xf32, #tpu.memory_space<vmem>>, %arg3: memref<204800xf32, #tpu.memory_space<vmem>>, %arg4: memref<102400xf32, #tpu.memory_space<vmem>>, %arg5: memref<1x16xf32, #tpu.memory_space<vmem>>, %arg6: memref<1x16xf32, #tpu.memory_space<vmem>>, %arg7: memref<16x32xf32, #tpu.memory_space<vmem>>, %arg8: memref<1x32xf32, #tpu.memory_space<vmem>>, %arg9: memref<1x32xf32, #tpu.memory_space<vmem>>, %arg10: memref<1x1xf32, #tpu.memory_space<vmem>>, %arg11: memref<1x1xf32, #tpu.memory_space<vmem>>) attributes {dimension_semantics = [], scalar_prefetch = 0 : i64, scratch_operands = 0 : i64, tpu.core_type = #tpu.core_type<tc>} {
    %get3A = arith.constant 0 : index
    %get3A_0 = vector.load %arg2[%get3A] : memref<204800xf32, #tpu.memory_space<vmem>>, vector<102400xf32>
    %get3A_1 = arith.constant 102400 : index
    %get3A_2 = vector.load %arg2[%get3A_1] : memref<204800xf32, #tpu.memory_space<vmem>>, vector<102400xf32>
    %add3A = arith.addf %get3A_0, %get3A_2 : vector<102400xf32>
    %get3A_3 = arith.constant 0 : index
    %get3A_4 = vector.load %arg3[%get3A_3] : memref<204800xf32, #tpu.memory_space<vmem>>, vector<102400xf32>
    %get3A_5 = arith.constant 102400 : index
    %get3A_6 = vector.load %arg3[%get3A_5] : memref<204800xf32, #tpu.memory_space<vmem>>, vector<102400xf32>
    %add3A_7 = arith.addf %get3A_4, %get3A_6 : vector<102400xf32>
    %get3A_8 = arith.constant 0 : index
    %get3A_9 = vector.load %arg1[%get3A_8] : memref<102400xf32, #tpu.memory_space<vmem>>, vector<102400xf32>
    %mul3A = arith.mulf %get3A_9, %get3A_9 : vector<102400xf32>
    %mul3A_10 = arith.mulf %get3A_9, %add3A : vector<102400xf32>
    %get3A_11 = arith.constant 0 : index
    %get3A_12 = vector.load %arg0[%get3A_11] : memref<102400xf32, #tpu.memory_space<vmem>>, vector<102400xf32>
    %mul3A_13 = arith.mulf %mul3A, %get3A_12 : vector<102400xf32>
    %add3A_14 = arith.addf %mul3A_10, %mul3A_13 : vector<102400xf32>
    %mul3A_15 = arith.mulf %get3A_9, %add3A_7 : vector<102400xf32>
    %add3A_16 = arith.addf %mul3A_15, %mul3A : vector<102400xf32>
    %get3A_17 = arith.constant 0 : index
    %get3A_18 = vector.load %arg4[%get3A_17] : memref<102400xf32, #tpu.memory_space<vmem>>, vector<102400xf32>
    %mul3A_19 = arith.mulf %add3A_16, %get3A_18 : vector<102400xf32>
    %get3A_20 = arith.constant 0 : index
    %get3A_21 = arith.constant 0 : index
    %get3A_22 = vector.load %arg8[%get3A_20, %get3A_21] : memref<1x32xf32, #tpu.memory_space<vmem>>, vector<1x32xf32>
    %get3A_23 = arith.constant 0 : index
    %get3A_24 = arith.constant 0 : index
    %get3A_25 = vector.load %arg5[%get3A_23, %get3A_24] : memref<1x16xf32, #tpu.memory_space<vmem>>, vector<1x1xf32>
    %get3A_26 = vector.extract %get3A_25[0, 0] : f32 from vector<1x1xf32>
    %mul3A_27 = vector.broadcast %get3A_26 : f32 to vector<102400xf32>
    %mul3A_28 = arith.mulf %add3A_14, %mul3A_27 : vector<102400xf32>
    %get3A_29 = arith.constant 0 : index
    %get3A_30 = arith.constant 0 : index
    %get3A_31 = vector.load %arg6[%get3A_29, %get3A_30] : memref<1x16xf32, #tpu.memory_space<vmem>>, vector<1x1xf32>
    %get3A_32 = vector.extract %get3A_31[0, 0] : f32 from vector<1x1xf32>
    %add3A_33 = vector.broadcast %get3A_32 : f32 to vector<102400xf32>
    %add3A_34 = arith.addf %mul3A_28, %add3A_33 : vector<102400xf32>
    %max3A = arith.constant 0.000000e+00 : f32
    %max3A_35 = vector.broadcast %max3A : f32 to vector<102400xf32>
    %max3A_36 = arith.maximumf %add3A_34, %max3A_35 : vector<102400xf32>
    %mul3A_37 = arith.mulf %mul3A_19, %max3A_36 : vector<102400xf32>
    %reduce_sum3A = vector.shape_cast %mul3A_37 : vector<102400xf32> to vector<1x102400xf32>
    %reduce_sum3A_38 = arith.constant dense<0.000000e+00> : vector<1xf32>
    %reduce_sum3A_39 = vector.multi_reduction <add>, %reduce_sum3A, %reduce_sum3A_38 [1] : vector<1x102400xf32> to vector<1xf32>
    %reduce_sum3A_40 = vector.shape_cast %reduce_sum3A_39 : vector<1xf32> to vector<1x1xf32>
    %reduce_sum3A_41 = vector.extract %reduce_sum3A_40[0, 0] : f32 from vector<1x1xf32>
    %mul3A_42 = arith.constant 9.99999974E-6 : f32
    %mul3A_43 = arith.mulf %reduce_sum3A_41, %mul3A_42 : f32
    %get3A_44 = arith.constant 0 : index
    %get3A_45 = arith.constant 0 : index
    %get3A_46 = vector.load %arg7[%get3A_44, %get3A_45] : memref<16x32xf32, #tpu.memory_space<vmem>>, vector<1x32xf32>
    %mul3A_47 = vector.broadcast %mul3A_43 : f32 to vector<1x32xf32>
    %mul3A_48 = arith.mulf %mul3A_47, %get3A_46 : vector<1x32xf32>
    %add3A_49 = arith.addf %get3A_22, %mul3A_48 : vector<1x32xf32>
    %get3A_50 = arith.constant 0 : index
    %get3A_51 = arith.constant 1 : index
    %get3A_52 = vector.load %arg5[%get3A_50, %get3A_51] : memref<1x16xf32, #tpu.memory_space<vmem>>, vector<1x1xf32>
    %get3A_53 = vector.extract %get3A_52[0, 0] : f32 from vector<1x1xf32>
    %mul3A_54 = vector.broadcast %get3A_53 : f32 to vector<102400xf32>
    %mul3A_55 = arith.mulf %add3A_14, %mul3A_54 : vector<102400xf32>
    %get3A_56 = arith.constant 0 : index
    %get3A_57 = arith.constant 1 : index
    %get3A_58 = vector.load %arg6[%get3A_56, %get3A_57] : memref<1x16xf32, #tpu.memory_space<vmem>>, vector<1x1xf32>
    %get3A_59 = vector.extract %get3A_58[0, 0] : f32 from vector<1x1xf32>
    %add3A_60 = vector.broadcast %get3A_59 : f32 to vector<102400xf32>
    %add3A_61 = arith.addf %mul3A_55, %add3A_60 : vector<102400xf32>
    %max3A_62 = arith.constant 0.000000e+00 : f32
    %max3A_63 = vector.broadcast %max3A_62 : f32 to vector<102400xf32>
    %max3A_64 = arith.maximumf %add3A_61, %max3A_63 : vector<102400xf32>
    %mul3A_65 = arith.mulf %mul3A_19, %max3A_64 : vector<102400xf32>
    %reduce_sum3A_66 = vector.shape_cast %mul3A_65 : vector<102400xf32> to vector<1x102400xf32>
    %reduce_sum3A_67 = arith.constant dense<0.000000e+00> : vector<1xf32>
    %reduce_sum3A_68 = vector.multi_reduction <add>, %reduce_sum3A_66, %reduce_sum3A_67 [1] : vector<1x102400xf32> to vector<1xf32>
    %reduce_sum3A_69 = vector.shape_cast %reduce_sum3A_68 : vector<1xf32> to vector<1x1xf32>
    %reduce_sum3A_70 = vector.extract %reduce_sum3A_69[0, 0] : f32 from vector<1x1xf32>
    %mul3A_71 = arith.constant 9.99999974E-6 : f32
    %mul3A_72 = arith.mulf %reduce_sum3A_70, %mul3A_71 : f32
    %get3A_73 = arith.constant 1 : index
    %get3A_74 = arith.constant 0 : index
    %get3A_75 = vector.load %arg7[%get3A_73, %get3A_74] : memref<16x32xf32, #tpu.memory_space<vmem>>, vector<1x32xf32>
    %mul3A_76 = vector.broadcast %mul3A_72 : f32 to vector<1x32xf32>
    %mul3A_77 = arith.mulf %mul3A_76, %get3A_75 : vector<1x32xf32>
    %add3A_78 = arith.addf %add3A_49, %mul3A_77 : vector<1x32xf32>
    %get3A_79 = arith.constant 0 : index
    %get3A_80 = arith.constant 2 : index
    %get3A_81 = vector.load %arg5[%get3A_79, %get3A_80] : memref<1x16xf32, #tpu.memory_space<vmem>>, vector<1x1xf32>
    %get3A_82 = vector.extract %get3A_81[0, 0] : f32 from vector<1x1xf32>
    %mul3A_83 = vector.broadcast %get3A_82 : f32 to vector<102400xf32>
    %mul3A_84 = arith.mulf %add3A_14, %mul3A_83 : vector<102400xf32>
    %get3A_85 = arith.constant 0 : index
    %get3A_86 = arith.constant 2 : index
    %get3A_87 = vector.load %arg6[%get3A_85, %get3A_86] : memref<1x16xf32, #tpu.memory_space<vmem>>, vector<1x1xf32>
    %get3A_88 = vector.extract %get3A_87[0, 0] : f32 from vector<1x1xf32>
    %add3A_89 = vector.broadcast %get3A_88 : f32 to vector<102400xf32>
    %add3A_90 = arith.addf %mul3A_84, %add3A_89 : vector<102400xf32>
    %max3A_91 = arith.constant 0.000000e+00 : f32
    %max3A_92 = vector.broadcast %max3A_91 : f32 to vector<102400xf32>
    %max3A_93 = arith.maximumf %add3A_90, %max3A_92 : vector<102400xf32>
    %mul3A_94 = arith.mulf %mul3A_19, %max3A_93 : vector<102400xf32>
    %reduce_sum3A_95 = vector.shape_cast %mul3A_94 : vector<102400xf32> to vector<1x102400xf32>
    %reduce_sum3A_96 = arith.constant dense<0.000000e+00> : vector<1xf32>
    %reduce_sum3A_97 = vector.multi_reduction <add>, %reduce_sum3A_95, %reduce_sum3A_96 [1] : vector<1x102400xf32> to vector<1xf32>
    %reduce_sum3A_98 = vector.shape_cast %reduce_sum3A_97 : vector<1xf32> to vector<1x1xf32>
    %reduce_sum3A_99 = vector.extract %reduce_sum3A_98[0, 0] : f32 from vector<1x1xf32>
    %mul3A_100 = arith.constant 9.99999974E-6 : f32
    %mul3A_101 = arith.mulf %reduce_sum3A_99, %mul3A_100 : f32
    %get3A_102 = arith.constant 2 : index
    %get3A_103 = arith.constant 0 : index
    %get3A_104 = vector.load %arg7[%get3A_102, %get3A_103] : memref<16x32xf32, #tpu.memory_space<vmem>>, vector<1x32xf32>
    %mul3A_105 = vector.broadcast %mul3A_101 : f32 to vector<1x32xf32>
    %mul3A_106 = arith.mulf %mul3A_105, %get3A_104 : vector<1x32xf32>
    %add3A_107 = arith.addf %add3A_78, %mul3A_106 : vector<1x32xf32>
    %get3A_108 = arith.constant 0 : index
    %get3A_109 = arith.constant 3 : index
    %get3A_110 = vector.load %arg5[%get3A_108, %get3A_109] : memref<1x16xf32, #tpu.memory_space<vmem>>, vector<1x1xf32>
    %get3A_111 = vector.extract %get3A_110[0, 0] : f32 from vector<1x1xf32>
    %mul3A_112 = vector.broadcast %get3A_111 : f32 to vector<102400xf32>
    %mul3A_113 = arith.mulf %add3A_14, %mul3A_112 : vector<102400xf32>
    %get3A_114 = arith.constant 0 : index
    %get3A_115 = arith.constant 3 : index
    %get3A_116 = vector.load %arg6[%get3A_114, %get3A_115] : memref<1x16xf32, #tpu.memory_space<vmem>>, vector<1x1xf32>
    %get3A_117 = vector.extract %get3A_116[0, 0] : f32 from vector<1x1xf32>
    %add3A_118 = vector.broadcast %get3A_117 : f32 to vector<102400xf32>
    %add3A_119 = arith.addf %mul3A_113, %add3A_118 : vector<102400xf32>
    %max3A_120 = arith.constant 0.000000e+00 : f32
    %max3A_121 = vector.broadcast %max3A_120 : f32 to vector<102400xf32>
    %max3A_122 = arith.maximumf %add3A_119, %max3A_121 : vector<102400xf32>
    %mul3A_123 = arith.mulf %mul3A_19, %max3A_122 : vector<102400xf32>
    %reduce_sum3A_124 = vector.shape_cast %mul3A_123 : vector<102400xf32> to vector<1x102400xf32>
    %reduce_sum3A_125 = arith.constant dense<0.000000e+00> : vector<1xf32>
    %reduce_sum3A_126 = vector.multi_reduction <add>, %reduce_sum3A_124, %reduce_sum3A_125 [1] : vector<1x102400xf32> to vector<1xf32>
    %reduce_sum3A_127 = vector.shape_cast %reduce_sum3A_126 : vector<1xf32> to vector<1x1xf32>
    %reduce_sum3A_128 = vector.extract %reduce_sum3A_127[0, 0] : f32 from vector<1x1xf32>
    %mul3A_129 = arith.constant 9.99999974E-6 : f32
    %mul3A_130 = arith.mulf %reduce_sum3A_128, %mul3A_129 : f32
    %get3A_131 = arith.constant 3 : index
    %get3A_132 = arith.constant 0 : index
    %get3A_133 = vector.load %arg7[%get3A_131, %get3A_132] : memref<16x32xf32, #tpu.memory_space<vmem>>, vector<1x32xf32>
    %mul3A_134 = vector.broadcast %mul3A_130 : f32 to vector<1x32xf32>
    %mul3A_135 = arith.mulf %mul3A_134, %get3A_133 : vector<1x32xf32>
    %add3A_136 = arith.addf %add3A_107, %mul3A_135 : vector<1x32xf32>
    %get3A_137 = arith.constant 0 : index
    %get3A_138 = arith.constant 4 : index
    %get3A_139 = vector.load %arg5[%get3A_137, %get3A_138] : memref<1x16xf32, #tpu.memory_space<vmem>>, vector<1x1xf32>
    %get3A_140 = vector.extract %get3A_139[0, 0] : f32 from vector<1x1xf32>
    %mul3A_141 = vector.broadcast %get3A_140 : f32 to vector<102400xf32>
    %mul3A_142 = arith.mulf %add3A_14, %mul3A_141 : vector<102400xf32>
    %get3A_143 = arith.constant 0 : index
    %get3A_144 = arith.constant 4 : index
    %get3A_145 = vector.load %arg6[%get3A_143, %get3A_144] : memref<1x16xf32, #tpu.memory_space<vmem>>, vector<1x1xf32>
    %get3A_146 = vector.extract %get3A_145[0, 0] : f32 from vector<1x1xf32>
    %add3A_147 = vector.broadcast %get3A_146 : f32 to vector<102400xf32>
    %add3A_148 = arith.addf %mul3A_142, %add3A_147 : vector<102400xf32>
    %max3A_149 = arith.constant 0.000000e+00 : f32
    %max3A_150 = vector.broadcast %max3A_149 : f32 to vector<102400xf32>
    %max3A_151 = arith.maximumf %add3A_148, %max3A_150 : vector<102400xf32>
    %mul3A_152 = arith.mulf %mul3A_19, %max3A_151 : vector<102400xf32>
    %reduce_sum3A_153 = vector.shape_cast %mul3A_152 : vector<102400xf32> to vector<1x102400xf32>
    %reduce_sum3A_154 = arith.constant dense<0.000000e+00> : vector<1xf32>
    %reduce_sum3A_155 = vector.multi_reduction <add>, %reduce_sum3A_153, %reduce_sum3A_154 [1] : vector<1x102400xf32> to vector<1xf32>
    %reduce_sum3A_156 = vector.shape_cast %reduce_sum3A_155 : vector<1xf32> to vector<1x1xf32>
    %reduce_sum3A_157 = vector.extract %reduce_sum3A_156[0, 0] : f32 from vector<1x1xf32>
    %mul3A_158 = arith.constant 9.99999974E-6 : f32
    %mul3A_159 = arith.mulf %reduce_sum3A_157, %mul3A_158 : f32
    %get3A_160 = arith.constant 4 : index
    %get3A_161 = arith.constant 0 : index
    %get3A_162 = vector.load %arg7[%get3A_160, %get3A_161] : memref<16x32xf32, #tpu.memory_space<vmem>>, vector<1x32xf32>
    %mul3A_163 = vector.broadcast %mul3A_159 : f32 to vector<1x32xf32>
    %mul3A_164 = arith.mulf %mul3A_163, %get3A_162 : vector<1x32xf32>
    %add3A_165 = arith.addf %add3A_136, %mul3A_164 : vector<1x32xf32>
    %get3A_166 = arith.constant 0 : index
    %get3A_167 = arith.constant 5 : index
    %get3A_168 = vector.load %arg5[%get3A_166, %get3A_167] : memref<1x16xf32, #tpu.memory_space<vmem>>, vector<1x1xf32>
    %get3A_169 = vector.extract %get3A_168[0, 0] : f32 from vector<1x1xf32>
    %mul3A_170 = vector.broadcast %get3A_169 : f32 to vector<102400xf32>
    %mul3A_171 = arith.mulf %add3A_14, %mul3A_170 : vector<102400xf32>
    %get3A_172 = arith.constant 0 : index
    %get3A_173 = arith.constant 5 : index
    %get3A_174 = vector.load %arg6[%get3A_172, %get3A_173] : memref<1x16xf32, #tpu.memory_space<vmem>>, vector<1x1xf32>
    %get3A_175 = vector.extract %get3A_174[0, 0] : f32 from vector<1x1xf32>
    %add3A_176 = vector.broadcast %get3A_175 : f32 to vector<102400xf32>
    %add3A_177 = arith.addf %mul3A_171, %add3A_176 : vector<102400xf32>
    %max3A_178 = arith.constant 0.000000e+00 : f32
    %max3A_179 = vector.broadcast %max3A_178 : f32 to vector<102400xf32>
    %max3A_180 = arith.maximumf %add3A_177, %max3A_179 : vector<102400xf32>
    %mul3A_181 = arith.mulf %mul3A_19, %max3A_180 : vector<102400xf32>
    %reduce_sum3A_182 = vector.shape_cast %mul3A_181 : vector<102400xf32> to vector<1x102400xf32>
    %reduce_sum3A_183 = arith.constant dense<0.000000e+00> : vector<1xf32>
    %reduce_sum3A_184 = vector.multi_reduction <add>, %reduce_sum3A_182, %reduce_sum3A_183 [1] : vector<1x102400xf32> to vector<1xf32>
    %reduce_sum3A_185 = vector.shape_cast %reduce_sum3A_184 : vector<1xf32> to vector<1x1xf32>
    %reduce_sum3A_186 = vector.extract %reduce_sum3A_185[0, 0] : f32 from vector<1x1xf32>
    %mul3A_187 = arith.constant 9.99999974E-6 : f32
    %mul3A_188 = arith.mulf %reduce_sum3A_186, %mul3A_187 : f32
    %get3A_189 = arith.constant 5 : index
    %get3A_190 = arith.constant 0 : index
    %get3A_191 = vector.load %arg7[%get3A_189, %get3A_190] : memref<16x32xf32, #tpu.memory_space<vmem>>, vector<1x32xf32>
    %mul3A_192 = vector.broadcast %mul3A_188 : f32 to vector<1x32xf32>
    %mul3A_193 = arith.mulf %mul3A_192, %get3A_191 : vector<1x32xf32>
    %add3A_194 = arith.addf %add3A_165, %mul3A_193 : vector<1x32xf32>
    %get3A_195 = arith.constant 0 : index
    %get3A_196 = arith.constant 6 : index
    %get3A_197 = vector.load %arg5[%get3A_195, %get3A_196] : memref<1x16xf32, #tpu.memory_space<vmem>>, vector<1x1xf32>
    %get3A_198 = vector.extract %get3A_197[0, 0] : f32 from vector<1x1xf32>
    %mul3A_199 = vector.broadcast %get3A_198 : f32 to vector<102400xf32>
    %mul3A_200 = arith.mulf %add3A_14, %mul3A_199 : vector<102400xf32>
    %get3A_201 = arith.constant 0 : index
    %get3A_202 = arith.constant 6 : index
    %get3A_203 = vector.load %arg6[%get3A_201, %get3A_202] : memref<1x16xf32, #tpu.memory_space<vmem>>, vector<1x1xf32>
    %get3A_204 = vector.extract %get3A_203[0, 0] : f32 from vector<1x1xf32>
    %add3A_205 = vector.broadcast %get3A_204 : f32 to vector<102400xf32>
    %add3A_206 = arith.addf %mul3A_200, %add3A_205 : vector<102400xf32>
    %max3A_207 = arith.constant 0.000000e+00 : f32
    %max3A_208 = vector.broadcast %max3A_207 : f32 to vector<102400xf32>
    %max3A_209 = arith.maximumf %add3A_206, %max3A_208 : vector<102400xf32>
    %mul3A_210 = arith.mulf %mul3A_19, %max3A_209 : vector<102400xf32>
    %reduce_sum3A_211 = vector.shape_cast %mul3A_210 : vector<102400xf32> to vector<1x102400xf32>
    %reduce_sum3A_212 = arith.constant dense<0.000000e+00> : vector<1xf32>
    %reduce_sum3A_213 = vector.multi_reduction <add>, %reduce_sum3A_211, %reduce_sum3A_212 [1] : vector<1x102400xf32> to vector<1xf32>
    %reduce_sum3A_214 = vector.shape_cast %reduce_sum3A_213 : vector<1xf32> to vector<1x1xf32>
    %reduce_sum3A_215 = vector.extract %reduce_sum3A_214[0, 0] : f32 from vector<1x1xf32>
    %mul3A_216 = arith.constant 9.99999974E-6 : f32
    %mul3A_217 = arith.mulf %reduce_sum3A_215, %mul3A_216 : f32
    %get3A_218 = arith.constant 6 : index
    %get3A_219 = arith.constant 0 : index
    %get3A_220 = vector.load %arg7[%get3A_218, %get3A_219] : memref<16x32xf32, #tpu.memory_space<vmem>>, vector<1x32xf32>
    %mul3A_221 = vector.broadcast %mul3A_217 : f32 to vector<1x32xf32>
    %mul3A_222 = arith.mulf %mul3A_221, %get3A_220 : vector<1x32xf32>
    %add3A_223 = arith.addf %add3A_194, %mul3A_222 : vector<1x32xf32>
    %get3A_224 = arith.constant 0 : index
    %get3A_225 = arith.constant 7 : index
    %get3A_226 = vector.load %arg5[%get3A_224, %get3A_225] : memref<1x16xf32, #tpu.memory_space<vmem>>, vector<1x1xf32>
    %get3A_227 = vector.extract %get3A_226[0, 0] : f32 from vector<1x1xf32>
    %mul3A_228 = vector.broadcast %get3A_227 : f32 to vector<102400xf32>
    %mul3A_229 = arith.mulf %add3A_14, %mul3A_228 : vector<102400xf32>
    %get3A_230 = arith.constant 0 : index
    %get3A_231 = arith.constant 7 : index
    %get3A_232 = vector.load %arg6[%get3A_230, %get3A_231] : memref<1x16xf32, #tpu.memory_space<vmem>>, vector<1x1xf32>
    %get3A_233 = vector.extract %get3A_232[0, 0] : f32 from vector<1x1xf32>
    %add3A_234 = vector.broadcast %get3A_233 : f32 to vector<102400xf32>
    %add3A_235 = arith.addf %mul3A_229, %add3A_234 : vector<102400xf32>
    %max3A_236 = arith.constant 0.000000e+00 : f32
    %max3A_237 = vector.broadcast %max3A_236 : f32 to vector<102400xf32>
    %max3A_238 = arith.maximumf %add3A_235, %max3A_237 : vector<102400xf32>
    %mul3A_239 = arith.mulf %mul3A_19, %max3A_238 : vector<102400xf32>
    %reduce_sum3A_240 = vector.shape_cast %mul3A_239 : vector<102400xf32> to vector<1x102400xf32>
    %reduce_sum3A_241 = arith.constant dense<0.000000e+00> : vector<1xf32>
    %reduce_sum3A_242 = vector.multi_reduction <add>, %reduce_sum3A_240, %reduce_sum3A_241 [1] : vector<1x102400xf32> to vector<1xf32>
    %reduce_sum3A_243 = vector.shape_cast %reduce_sum3A_242 : vector<1xf32> to vector<1x1xf32>
    %reduce_sum3A_244 = vector.extract %reduce_sum3A_243[0, 0] : f32 from vector<1x1xf32>
    %mul3A_245 = arith.constant 9.99999974E-6 : f32
    %mul3A_246 = arith.mulf %reduce_sum3A_244, %mul3A_245 : f32
    %get3A_247 = arith.constant 7 : index
    %get3A_248 = arith.constant 0 : index
    %get3A_249 = vector.load %arg7[%get3A_247, %get3A_248] : memref<16x32xf32, #tpu.memory_space<vmem>>, vector<1x32xf32>
    %mul3A_250 = vector.broadcast %mul3A_246 : f32 to vector<1x32xf32>
    %mul3A_251 = arith.mulf %mul3A_250, %get3A_249 : vector<1x32xf32>
    %add3A_252 = arith.addf %add3A_223, %mul3A_251 : vector<1x32xf32>
    %get3A_253 = arith.constant 0 : index
    %get3A_254 = arith.constant 8 : index
    %get3A_255 = vector.load %arg5[%get3A_253, %get3A_254] : memref<1x16xf32, #tpu.memory_space<vmem>>, vector<1x1xf32>
    %get3A_256 = vector.extract %get3A_255[0, 0] : f32 from vector<1x1xf32>
    %mul3A_257 = vector.broadcast %get3A_256 : f32 to vector<102400xf32>
    %mul3A_258 = arith.mulf %add3A_14, %mul3A_257 : vector<102400xf32>
    %get3A_259 = arith.constant 0 : index
    %get3A_260 = arith.constant 8 : index
    %get3A_261 = vector.load %arg6[%get3A_259, %get3A_260] : memref<1x16xf32, #tpu.memory_space<vmem>>, vector<1x1xf32>
    %get3A_262 = vector.extract %get3A_261[0, 0] : f32 from vector<1x1xf32>
    %add3A_263 = vector.broadcast %get3A_262 : f32 to vector<102400xf32>
    %add3A_264 = arith.addf %mul3A_258, %add3A_263 : vector<102400xf32>
    %max3A_265 = arith.constant 0.000000e+00 : f32
    %max3A_266 = vector.broadcast %max3A_265 : f32 to vector<102400xf32>
    %max3A_267 = arith.maximumf %add3A_264, %max3A_266 : vector<102400xf32>
    %mul3A_268 = arith.mulf %mul3A_19, %max3A_267 : vector<102400xf32>
    %reduce_sum3A_269 = vector.shape_cast %mul3A_268 : vector<102400xf32> to vector<1x102400xf32>
    %reduce_sum3A_270 = arith.constant dense<0.000000e+00> : vector<1xf32>
    %reduce_sum3A_271 = vector.multi_reduction <add>, %reduce_sum3A_269, %reduce_sum3A_270 [1] : vector<1x102400xf32> to vector<1xf32>
    %reduce_sum3A_272 = vector.shape_cast %reduce_sum3A_271 : vector<1xf32> to vector<1x1xf32>
    %reduce_sum3A_273 = vector.extract %reduce_sum3A_272[0, 0] : f32 from vector<1x1xf32>
    %mul3A_274 = arith.constant 9.99999974E-6 : f32
    %mul3A_275 = arith.mulf %reduce_sum3A_273, %mul3A_274 : f32
    %get3A_276 = arith.constant 8 : index
    %get3A_277 = arith.constant 0 : index
    %get3A_278 = vector.load %arg7[%get3A_276, %get3A_277] : memref<16x32xf32, #tpu.memory_space<vmem>>, vector<1x32xf32>
    %mul3A_279 = vector.broadcast %mul3A_275 : f32 to vector<1x32xf32>
    %mul3A_280 = arith.mulf %mul3A_279, %get3A_278 : vector<1x32xf32>
    %add3A_281 = arith.addf %add3A_252, %mul3A_280 : vector<1x32xf32>
    %get3A_282 = arith.constant 0 : index
    %get3A_283 = arith.constant 9 : index
    %get3A_284 = vector.load %arg5[%get3A_282, %get3A_283] : memref<1x16xf32, #tpu.memory_space<vmem>>, vector<1x1xf32>
    %get3A_285 = vector.extract %get3A_284[0, 0] : f32 from vector<1x1xf32>
    %mul3A_286 = vector.broadcast %get3A_285 : f32 to vector<102400xf32>
    %mul3A_287 = arith.mulf %add3A_14, %mul3A_286 : vector<102400xf32>
    %get3A_288 = arith.constant 0 : index
    %get3A_289 = arith.constant 9 : index
    %get3A_290 = vector.load %arg6[%get3A_288, %get3A_289] : memref<1x16xf32, #tpu.memory_space<vmem>>, vector<1x1xf32>
    %get3A_291 = vector.extract %get3A_290[0, 0] : f32 from vector<1x1xf32>
    %add3A_292 = vector.broadcast %get3A_291 : f32 to vector<102400xf32>
    %add3A_293 = arith.addf %mul3A_287, %add3A_292 : vector<102400xf32>
    %max3A_294 = arith.constant 0.000000e+00 : f32
    %max3A_295 = vector.broadcast %max3A_294 : f32 to vector<102400xf32>
    %max3A_296 = arith.maximumf %add3A_293, %max3A_295 : vector<102400xf32>
    %mul3A_297 = arith.mulf %mul3A_19, %max3A_296 : vector<102400xf32>
    %reduce_sum3A_298 = vector.shape_cast %mul3A_297 : vector<102400xf32> to vector<1x102400xf32>
    %reduce_sum3A_299 = arith.constant dense<0.000000e+00> : vector<1xf32>
    %reduce_sum3A_300 = vector.multi_reduction <add>, %reduce_sum3A_298, %reduce_sum3A_299 [1] : vector<1x102400xf32> to vector<1xf32>
    %reduce_sum3A_301 = vector.shape_cast %reduce_sum3A_300 : vector<1xf32> to vector<1x1xf32>
    %reduce_sum3A_302 = vector.extract %reduce_sum3A_301[0, 0] : f32 from vector<1x1xf32>
    %mul3A_303 = arith.constant 9.99999974E-6 : f32
    %mul3A_304 = arith.mulf %reduce_sum3A_302, %mul3A_303 : f32
    %get3A_305 = arith.constant 9 : index
    %get3A_306 = arith.constant 0 : index
    %get3A_307 = vector.load %arg7[%get3A_305, %get3A_306] : memref<16x32xf32, #tpu.memory_space<vmem>>, vector<1x32xf32>
    %mul3A_308 = vector.broadcast %mul3A_304 : f32 to vector<1x32xf32>
    %mul3A_309 = arith.mulf %mul3A_308, %get3A_307 : vector<1x32xf32>
    %add3A_310 = arith.addf %add3A_281, %mul3A_309 : vector<1x32xf32>
    %get3A_311 = arith.constant 0 : index
    %get3A_312 = arith.constant 10 : index
    %get3A_313 = vector.load %arg5[%get3A_311, %get3A_312] : memref<1x16xf32, #tpu.memory_space<vmem>>, vector<1x1xf32>
    %get3A_314 = vector.extract %get3A_313[0, 0] : f32 from vector<1x1xf32>
    %mul3A_315 = vector.broadcast %get3A_314 : f32 to vector<102400xf32>
    %mul3A_316 = arith.mulf %add3A_14, %mul3A_315 : vector<102400xf32>
    %get3A_317 = arith.constant 0 : index
    %get3A_318 = arith.constant 10 : index
    %get3A_319 = vector.load %arg6[%get3A_317, %get3A_318] : memref<1x16xf32, #tpu.memory_space<vmem>>, vector<1x1xf32>
    %get3A_320 = vector.extract %get3A_319[0, 0] : f32 from vector<1x1xf32>
    %add3A_321 = vector.broadcast %get3A_320 : f32 to vector<102400xf32>
    %add3A_322 = arith.addf %mul3A_316, %add3A_321 : vector<102400xf32>
    %max3A_323 = arith.constant 0.000000e+00 : f32
    %max3A_324 = vector.broadcast %max3A_323 : f32 to vector<102400xf32>
    %max3A_325 = arith.maximumf %add3A_322, %max3A_324 : vector<102400xf32>
    %mul3A_326 = arith.mulf %mul3A_19, %max3A_325 : vector<102400xf32>
    %reduce_sum3A_327 = vector.shape_cast %mul3A_326 : vector<102400xf32> to vector<1x102400xf32>
    %reduce_sum3A_328 = arith.constant dense<0.000000e+00> : vector<1xf32>
    %reduce_sum3A_329 = vector.multi_reduction <add>, %reduce_sum3A_327, %reduce_sum3A_328 [1] : vector<1x102400xf32> to vector<1xf32>
    %reduce_sum3A_330 = vector.shape_cast %reduce_sum3A_329 : vector<1xf32> to vector<1x1xf32>
    %reduce_sum3A_331 = vector.extract %reduce_sum3A_330[0, 0] : f32 from vector<1x1xf32>
    %mul3A_332 = arith.constant 9.99999974E-6 : f32
    %mul3A_333 = arith.mulf %reduce_sum3A_331, %mul3A_332 : f32
    %get3A_334 = arith.constant 10 : index
    %get3A_335 = arith.constant 0 : index
    %get3A_336 = vector.load %arg7[%get3A_334, %get3A_335] : memref<16x32xf32, #tpu.memory_space<vmem>>, vector<1x32xf32>
    %mul3A_337 = vector.broadcast %mul3A_333 : f32 to vector<1x32xf32>
    %mul3A_338 = arith.mulf %mul3A_337, %get3A_336 : vector<1x32xf32>
    %add3A_339 = arith.addf %add3A_310, %mul3A_338 : vector<1x32xf32>
    %get3A_340 = arith.constant 0 : index
    %get3A_341 = arith.constant 11 : index
    %get3A_342 = vector.load %arg5[%get3A_340, %get3A_341] : memref<1x16xf32, #tpu.memory_space<vmem>>, vector<1x1xf32>
    %get3A_343 = vector.extract %get3A_342[0, 0] : f32 from vector<1x1xf32>
    %mul3A_344 = vector.broadcast %get3A_343 : f32 to vector<102400xf32>
    %mul3A_345 = arith.mulf %add3A_14, %mul3A_344 : vector<102400xf32>
    %get3A_346 = arith.constant 0 : index
    %get3A_347 = arith.constant 11 : index
    %get3A_348 = vector.load %arg6[%get3A_346, %get3A_347] : memref<1x16xf32, #tpu.memory_space<vmem>>, vector<1x1xf32>
    %get3A_349 = vector.extract %get3A_348[0, 0] : f32 from vector<1x1xf32>
    %add3A_350 = vector.broadcast %get3A_349 : f32 to vector<102400xf32>
    %add3A_351 = arith.addf %mul3A_345, %add3A_350 : vector<102400xf32>
    %max3A_352 = arith.constant 0.000000e+00 : f32
    %max3A_353 = vector.broadcast %max3A_352 : f32 to vector<102400xf32>
    %max3A_354 = arith.maximumf %add3A_351, %max3A_353 : vector<102400xf32>
    %mul3A_355 = arith.mulf %mul3A_19, %max3A_354 : vector<102400xf32>
    %reduce_sum3A_356 = vector.shape_cast %mul3A_355 : vector<102400xf32> to vector<1x102400xf32>
    %reduce_sum3A_357 = arith.constant dense<0.000000e+00> : vector<1xf32>
    %reduce_sum3A_358 = vector.multi_reduction <add>, %reduce_sum3A_356, %reduce_sum3A_357 [1] : vector<1x102400xf32> to vector<1xf32>
    %reduce_sum3A_359 = vector.shape_cast %reduce_sum3A_358 : vector<1xf32> to vector<1x1xf32>
    %reduce_sum3A_360 = vector.extract %reduce_sum3A_359[0, 0] : f32 from vector<1x1xf32>
    %mul3A_361 = arith.constant 9.99999974E-6 : f32
    %mul3A_362 = arith.mulf %reduce_sum3A_360, %mul3A_361 : f32
    %get3A_363 = arith.constant 11 : index
    %get3A_364 = arith.constant 0 : index
    %get3A_365 = vector.load %arg7[%get3A_363, %get3A_364] : memref<16x32xf32, #tpu.memory_space<vmem>>, vector<1x32xf32>
    %mul3A_366 = vector.broadcast %mul3A_362 : f32 to vector<1x32xf32>
    %mul3A_367 = arith.mulf %mul3A_366, %get3A_365 : vector<1x32xf32>
    %add3A_368 = arith.addf %add3A_339, %mul3A_367 : vector<1x32xf32>
    %get3A_369 = arith.constant 0 : index
    %get3A_370 = arith.constant 12 : index
    %get3A_371 = vector.load %arg5[%get3A_369, %get3A_370] : memref<1x16xf32, #tpu.memory_space<vmem>>, vector<1x1xf32>
    %get3A_372 = vector.extract %get3A_371[0, 0] : f32 from vector<1x1xf32>
    %mul3A_373 = vector.broadcast %get3A_372 : f32 to vector<102400xf32>
    %mul3A_374 = arith.mulf %add3A_14, %mul3A_373 : vector<102400xf32>
    %get3A_375 = arith.constant 0 : index
    %get3A_376 = arith.constant 12 : index
    %get3A_377 = vector.load %arg6[%get3A_375, %get3A_376] : memref<1x16xf32, #tpu.memory_space<vmem>>, vector<1x1xf32>
    %get3A_378 = vector.extract %get3A_377[0, 0] : f32 from vector<1x1xf32>
    %add3A_379 = vector.broadcast %get3A_378 : f32 to vector<102400xf32>
    %add3A_380 = arith.addf %mul3A_374, %add3A_379 : vector<102400xf32>
    %max3A_381 = arith.constant 0.000000e+00 : f32
    %max3A_382 = vector.broadcast %max3A_381 : f32 to vector<102400xf32>
    %max3A_383 = arith.maximumf %add3A_380, %max3A_382 : vector<102400xf32>
    %mul3A_384 = arith.mulf %mul3A_19, %max3A_383 : vector<102400xf32>
    %reduce_sum3A_385 = vector.shape_cast %mul3A_384 : vector<102400xf32> to vector<1x102400xf32>
    %reduce_sum3A_386 = arith.constant dense<0.000000e+00> : vector<1xf32>
    %reduce_sum3A_387 = vector.multi_reduction <add>, %reduce_sum3A_385, %reduce_sum3A_386 [1] : vector<1x102400xf32> to vector<1xf32>
    %reduce_sum3A_388 = vector.shape_cast %reduce_sum3A_387 : vector<1xf32> to vector<1x1xf32>
    %reduce_sum3A_389 = vector.extract %reduce_sum3A_388[0, 0] : f32 from vector<1x1xf32>
    %mul3A_390 = arith.constant 9.99999974E-6 : f32
    %mul3A_391 = arith.mulf %reduce_sum3A_389, %mul3A_390 : f32
    %get3A_392 = arith.constant 12 : index
    %get3A_393 = arith.constant 0 : index
    %get3A_394 = vector.load %arg7[%get3A_392, %get3A_393] : memref<16x32xf32, #tpu.memory_space<vmem>>, vector<1x32xf32>
    %mul3A_395 = vector.broadcast %mul3A_391 : f32 to vector<1x32xf32>
    %mul3A_396 = arith.mulf %mul3A_395, %get3A_394 : vector<1x32xf32>
    %add3A_397 = arith.addf %add3A_368, %mul3A_396 : vector<1x32xf32>
    %get3A_398 = arith.constant 0 : index
    %get3A_399 = arith.constant 13 : index
    %get3A_400 = vector.load %arg5[%get3A_398, %get3A_399] : memref<1x16xf32, #tpu.memory_space<vmem>>, vector<1x1xf32>
    %get3A_401 = vector.extract %get3A_400[0, 0] : f32 from vector<1x1xf32>
    %mul3A_402 = vector.broadcast %get3A_401 : f32 to vector<102400xf32>
    %mul3A_403 = arith.mulf %add3A_14, %mul3A_402 : vector<102400xf32>
    %get3A_404 = arith.constant 0 : index
    %get3A_405 = arith.constant 13 : index
    %get3A_406 = vector.load %arg6[%get3A_404, %get3A_405] : memref<1x16xf32, #tpu.memory_space<vmem>>, vector<1x1xf32>
    %get3A_407 = vector.extract %get3A_406[0, 0] : f32 from vector<1x1xf32>
    %add3A_408 = vector.broadcast %get3A_407 : f32 to vector<102400xf32>
    %add3A_409 = arith.addf %mul3A_403, %add3A_408 : vector<102400xf32>
    %max3A_410 = arith.constant 0.000000e+00 : f32
    %max3A_411 = vector.broadcast %max3A_410 : f32 to vector<102400xf32>
    %max3A_412 = arith.maximumf %add3A_409, %max3A_411 : vector<102400xf32>
    %mul3A_413 = arith.mulf %mul3A_19, %max3A_412 : vector<102400xf32>
    %reduce_sum3A_414 = vector.shape_cast %mul3A_413 : vector<102400xf32> to vector<1x102400xf32>
    %reduce_sum3A_415 = arith.constant dense<0.000000e+00> : vector<1xf32>
    %reduce_sum3A_416 = vector.multi_reduction <add>, %reduce_sum3A_414, %reduce_sum3A_415 [1] : vector<1x102400xf32> to vector<1xf32>
    %reduce_sum3A_417 = vector.shape_cast %reduce_sum3A_416 : vector<1xf32> to vector<1x1xf32>
    %reduce_sum3A_418 = vector.extract %reduce_sum3A_417[0, 0] : f32 from vector<1x1xf32>
    %mul3A_419 = arith.constant 9.99999974E-6 : f32
    %mul3A_420 = arith.mulf %reduce_sum3A_418, %mul3A_419 : f32
    %get3A_421 = arith.constant 13 : index
    %get3A_422 = arith.constant 0 : index
    %get3A_423 = vector.load %arg7[%get3A_421, %get3A_422] : memref<16x32xf32, #tpu.memory_space<vmem>>, vector<1x32xf32>
    %mul3A_424 = vector.broadcast %mul3A_420 : f32 to vector<1x32xf32>
    %mul3A_425 = arith.mulf %mul3A_424, %get3A_423 : vector<1x32xf32>
    %add3A_426 = arith.addf %add3A_397, %mul3A_425 : vector<1x32xf32>
    %get3A_427 = arith.constant 0 : index
    %get3A_428 = arith.constant 14 : index
    %get3A_429 = vector.load %arg5[%get3A_427, %get3A_428] : memref<1x16xf32, #tpu.memory_space<vmem>>, vector<1x1xf32>
    %get3A_430 = vector.extract %get3A_429[0, 0] : f32 from vector<1x1xf32>
    %mul3A_431 = vector.broadcast %get3A_430 : f32 to vector<102400xf32>
    %mul3A_432 = arith.mulf %add3A_14, %mul3A_431 : vector<102400xf32>
    %get3A_433 = arith.constant 0 : index
    %get3A_434 = arith.constant 14 : index
    %get3A_435 = vector.load %arg6[%get3A_433, %get3A_434] : memref<1x16xf32, #tpu.memory_space<vmem>>, vector<1x1xf32>
    %get3A_436 = vector.extract %get3A_435[0, 0] : f32 from vector<1x1xf32>
    %add3A_437 = vector.broadcast %get3A_436 : f32 to vector<102400xf32>
    %add3A_438 = arith.addf %mul3A_432, %add3A_437 : vector<102400xf32>
    %max3A_439 = arith.constant 0.000000e+00 : f32
    %max3A_440 = vector.broadcast %max3A_439 : f32 to vector<102400xf32>
    %max3A_441 = arith.maximumf %add3A_438, %max3A_440 : vector<102400xf32>
    %mul3A_442 = arith.mulf %mul3A_19, %max3A_441 : vector<102400xf32>
    %reduce_sum3A_443 = vector.shape_cast %mul3A_442 : vector<102400xf32> to vector<1x102400xf32>
    %reduce_sum3A_444 = arith.constant dense<0.000000e+00> : vector<1xf32>
    %reduce_sum3A_445 = vector.multi_reduction <add>, %reduce_sum3A_443, %reduce_sum3A_444 [1] : vector<1x102400xf32> to vector<1xf32>
    %reduce_sum3A_446 = vector.shape_cast %reduce_sum3A_445 : vector<1xf32> to vector<1x1xf32>
    %reduce_sum3A_447 = vector.extract %reduce_sum3A_446[0, 0] : f32 from vector<1x1xf32>
    %mul3A_448 = arith.constant 9.99999974E-6 : f32
    %mul3A_449 = arith.mulf %reduce_sum3A_447, %mul3A_448 : f32
    %get3A_450 = arith.constant 14 : index
    %get3A_451 = arith.constant 0 : index
    %get3A_452 = vector.load %arg7[%get3A_450, %get3A_451] : memref<16x32xf32, #tpu.memory_space<vmem>>, vector<1x32xf32>
    %mul3A_453 = vector.broadcast %mul3A_449 : f32 to vector<1x32xf32>
    %mul3A_454 = arith.mulf %mul3A_453, %get3A_452 : vector<1x32xf32>
    %add3A_455 = arith.addf %add3A_426, %mul3A_454 : vector<1x32xf32>
    %get3A_456 = arith.constant 0 : index
    %get3A_457 = arith.constant 15 : index
    %get3A_458 = vector.load %arg5[%get3A_456, %get3A_457] : memref<1x16xf32, #tpu.memory_space<vmem>>, vector<1x1xf32>
    %get3A_459 = vector.extract %get3A_458[0, 0] : f32 from vector<1x1xf32>
    %mul3A_460 = vector.broadcast %get3A_459 : f32 to vector<102400xf32>
    %mul3A_461 = arith.mulf %add3A_14, %mul3A_460 : vector<102400xf32>
    %get3A_462 = arith.constant 0 : index
    %get3A_463 = arith.constant 15 : index
    %get3A_464 = vector.load %arg6[%get3A_462, %get3A_463] : memref<1x16xf32, #tpu.memory_space<vmem>>, vector<1x1xf32>
    %get3A_465 = vector.extract %get3A_464[0, 0] : f32 from vector<1x1xf32>
    %add3A_466 = vector.broadcast %get3A_465 : f32 to vector<102400xf32>
    %add3A_467 = arith.addf %mul3A_461, %add3A_466 : vector<102400xf32>
    %max3A_468 = arith.constant 0.000000e+00 : f32
    %max3A_469 = vector.broadcast %max3A_468 : f32 to vector<102400xf32>
    %max3A_470 = arith.maximumf %add3A_467, %max3A_469 : vector<102400xf32>
    %mul3A_471 = arith.mulf %mul3A_19, %max3A_470 : vector<102400xf32>
    %reduce_sum3A_472 = vector.shape_cast %mul3A_471 : vector<102400xf32> to vector<1x102400xf32>
    %reduce_sum3A_473 = arith.constant dense<0.000000e+00> : vector<1xf32>
    %reduce_sum3A_474 = vector.multi_reduction <add>, %reduce_sum3A_472, %reduce_sum3A_473 [1] : vector<1x102400xf32> to vector<1xf32>
    %reduce_sum3A_475 = vector.shape_cast %reduce_sum3A_474 : vector<1xf32> to vector<1x1xf32>
    %reduce_sum3A_476 = vector.extract %reduce_sum3A_475[0, 0] : f32 from vector<1x1xf32>
    %mul3A_477 = arith.constant 9.99999974E-6 : f32
    %mul3A_478 = arith.mulf %reduce_sum3A_476, %mul3A_477 : f32
    %get3A_479 = arith.constant 15 : index
    %get3A_480 = arith.constant 0 : index
    %get3A_481 = vector.load %arg7[%get3A_479, %get3A_480] : memref<16x32xf32, #tpu.memory_space<vmem>>, vector<1x32xf32>
    %mul3A_482 = vector.broadcast %mul3A_478 : f32 to vector<1x32xf32>
    %mul3A_483 = arith.mulf %mul3A_482, %get3A_481 : vector<1x32xf32>
    %add3A_484 = arith.addf %add3A_455, %mul3A_483 : vector<1x32xf32>
    %get3A_485 = arith.constant 0 : index
    %get3A_486 = arith.constant 0 : index
    %get3A_487 = vector.load %arg9[%get3A_485, %get3A_486] : memref<1x32xf32, #tpu.memory_space<vmem>>, vector<1x32xf32>
    %mul3A_488 = arith.mulf %add3A_484, %get3A_487 : vector<1x32xf32>
    %reduce_sum3A_489 = vector.shape_cast %mul3A_488 : vector<1x32xf32> to vector<1x1x32xf32>
    %reduce_sum3A_490 = arith.constant dense<0.000000e+00> : vector<1xf32>
    %reduce_sum3A_491 = vector.multi_reduction <add>, %reduce_sum3A_489, %reduce_sum3A_490 [1, 2] : vector<1x1x32xf32> to vector<1xf32>
    %reduce_sum3A_492 = vector.shape_cast %reduce_sum3A_491 : vector<1xf32> to vector<1x1x1xf32>
    %reduce_sum3A_493 = vector.extract %reduce_sum3A_492[0, 0, 0] : f32 from vector<1x1x1xf32>
    %reshape3A = vector.broadcast %reduce_sum3A_493 : f32 to vector<1x1xf32>
    %get3A_494 = arith.constant 0 : index
    %get3A_495 = arith.constant 0 : index
    %get3A_496 = vector.load %arg10[%get3A_494, %get3A_495] : memref<1x1xf32, #tpu.memory_space<vmem>>, vector<1x1xf32>
    %add3A_497 = arith.addf %reshape3A, %get3A_496 : vector<1x1xf32>
    %swap3A = arith.constant 0 : index
    %swap3A_498 = arith.constant 0 : index
    %swap3A_499 = vector.load %arg11[%swap3A, %swap3A_498] : memref<1x1xf32, #tpu.memory_space<vmem>>, vector<1x1xf32>
    tpu.vector_store %arg11[%swap3A, %swap3A_498], %add3A_497 {strides = array<i32>} : memref<1x1xf32, #tpu.memory_space<vmem>>, vector<1x1xf32>,
    return
  }
}

module attributes {stable_mosaic.version = 14 : i64} {
  func.func @_pw_body(%arg0: i32, %arg1: memref<819200xf32, #tpu.memory_space<vmem>>, %arg2: memref<102400xf32, #tpu.memory_space<vmem>>, %arg3: memref<102400xf32, #tpu.memory_space<vmem>>, %arg4: memref<102400xf32, #tpu.memory_space<vmem>>) attributes {dimension_semantics = [#tpu.dimension_semantics<arbitrary>], iteration_bounds = array<i64: 4>, scalar_prefetch = 0 : i64, scratch_operands = 0 : i64, tpu.core_type = #tpu.core_type<tc>, window_params = [{transform_indices = @transform_0, window_bounds = array<i64: 819200>}, {pipeline_mode = #tpu.pipeline_mode<synchronous>, transform_indices = @transform_1, window_bounds = array<i64: 102400>}, {pipeline_mode = #tpu.pipeline_mode<synchronous>, transform_indices = @transform_2, window_bounds = array<i64: 102400>}, {pipeline_mode = #tpu.pipeline_mode<synchronous>, transform_indices = @transform_3, window_bounds = array<i64: 102400>}]} {
    %get3A = arith.constant 0 : index
    %get3A_0 = vector.load %arg1[%get3A] : memref<819200xf32, #tpu.memory_space<vmem>>, vector<102400xf32>
    %get3A_1 = arith.constant 102400 : index
    %get3A_2 = vector.load %arg1[%get3A_1] : memref<819200xf32, #tpu.memory_space<vmem>>, vector<102400xf32>
    %add3A = arith.addf %get3A_0, %get3A_2 : vector<102400xf32>
    %get3A_3 = arith.constant 204800 : index
    %get3A_4 = vector.load %arg1[%get3A_3] : memref<819200xf32, #tpu.memory_space<vmem>>, vector<102400xf32>
    %add3A_5 = arith.addf %add3A, %get3A_4 : vector<102400xf32>
    %get3A_6 = arith.constant 307200 : index
    %get3A_7 = vector.load %arg1[%get3A_6] : memref<819200xf32, #tpu.memory_space<vmem>>, vector<102400xf32>
    %add3A_8 = arith.addf %add3A_5, %get3A_7 : vector<102400xf32>
    %get3A_9 = arith.constant 409600 : index
    %get3A_10 = vector.load %arg1[%get3A_9] : memref<819200xf32, #tpu.memory_space<vmem>>, vector<102400xf32>
    %add3A_11 = arith.addf %add3A_8, %get3A_10 : vector<102400xf32>
    %get3A_12 = arith.constant 512000 : index
    %get3A_13 = vector.load %arg1[%get3A_12] : memref<819200xf32, #tpu.memory_space<vmem>>, vector<102400xf32>
    %add3A_14 = arith.addf %add3A_11, %get3A_13 : vector<102400xf32>
    %get3A_15 = arith.constant 614400 : index
    %get3A_16 = vector.load %arg1[%get3A_15] : memref<819200xf32, #tpu.memory_space<vmem>>, vector<102400xf32>
    %add3A_17 = arith.addf %add3A_14, %get3A_16 : vector<102400xf32>
    %get3A_18 = arith.constant 716800 : index
    %get3A_19 = vector.load %arg1[%get3A_18] : memref<819200xf32, #tpu.memory_space<vmem>>, vector<102400xf32>
    %add3A_20 = arith.addf %add3A_17, %get3A_19 : vector<102400xf32>
    %eq3A = arith.constant 0 : i32
    %eq3A_21 = arith.cmpi eq, %arg0, %eq3A : i32
    %convert_element_type3A = arith.extui %eq3A_21 : i1 to i32
    %cond3A = arith.constant 0 : i32
    %cond3A_22 = arith.cmpi ne, %convert_element_type3A, %cond3A : i32
    scf.if %cond3A_22 {
      %swap3A = arith.constant 0 : index
      %swap3A_32 = vector.load %arg3[%swap3A] : memref<102400xf32, #tpu.memory_space<vmem>>, vector<102400xf32>
      tpu.vector_store %arg3[%swap3A], %add3A_20 {strides = array<i32>} : memref<102400xf32, #tpu.memory_space<vmem>>, vector<102400xf32>,
    } else {
    }
    %gt3A = arith.constant 0 : i32
    %gt3A_23 = arith.cmpi sgt, %arg0, %gt3A : i32
    %convert_element_type3A_24 = arith.extui %gt3A_23 : i1 to i32
    %cond3A_25 = arith.constant 0 : i32
    %cond3A_26 = arith.cmpi ne, %convert_element_type3A_24, %cond3A_25 : i32
    scf.if %cond3A_26 {
      %get3A_32 = arith.constant 0 : index
      %get3A_33 = vector.load %arg3[%get3A_32] : memref<102400xf32, #tpu.memory_space<vmem>>, vector<102400xf32>
      %add3A_34 = arith.addf %get3A_33, %add3A_20 : vector<102400xf32>
      %swap3A = arith.constant 0 : index
      %swap3A_35 = vector.load %arg3[%swap3A] : memref<102400xf32, #tpu.memory_space<vmem>>, vector<102400xf32>
      tpu.vector_store %arg3[%swap3A], %add3A_34 {strides = array<i32>} : memref<102400xf32, #tpu.memory_space<vmem>>, vector<102400xf32>,
    } else {
    }
    %eq3A_27 = arith.constant 3 : i32
    %eq3A_28 = arith.cmpi eq, %arg0, %eq3A_27 : i32
    %convert_element_type3A_29 = arith.extui %eq3A_28 : i1 to i32
    %cond3A_30 = arith.constant 0 : i32
    %cond3A_31 = arith.cmpi ne, %convert_element_type3A_29, %cond3A_30 : i32
    scf.if %cond3A_31 {
      %get3A_32 = arith.constant 0 : index
      %get3A_33 = vector.load %arg3[%get3A_32] : memref<102400xf32, #tpu.memory_space<vmem>>, vector<102400xf32>
      %add3A_34 = arith.constant 1.000000e+00 : f32
      %add3A_35 = vector.broadcast %add3A_34 : f32 to vector<102400xf32>
      %add3A_36 = arith.addf %get3A_33, %add3A_35 : vector<102400xf32>
      %rsqrt3A = math.rsqrt %add3A_36 : vector<102400xf32>
      %swap3A = arith.constant 0 : index
      %swap3A_37 = vector.load %arg3[%swap3A] : memref<102400xf32, #tpu.memory_space<vmem>>, vector<102400xf32>
      tpu.vector_store %arg3[%swap3A], %rsqrt3A {strides = array<i32>} : memref<102400xf32, #tpu.memory_space<vmem>>, vector<102400xf32>,
      %get3A_38 = arith.constant 0 : index
      %get3A_39 = vector.load %arg2[%get3A_38] : memref<102400xf32, #tpu.memory_space<vmem>>, vector<102400xf32>
      %mul3A = arith.mulf %get3A_39, %rsqrt3A : vector<102400xf32>
      %swap3A_40 = arith.constant 0 : index
      %swap3A_41 = vector.load %arg4[%swap3A_40] : memref<102400xf32, #tpu.memory_space<vmem>>, vector<102400xf32>
      tpu.vector_store %arg4[%swap3A_40], %mul3A {strides = array<i32>} : memref<102400xf32, #tpu.memory_space<vmem>>, vector<102400xf32>,
    } else {
    }
    return
  }
  func.func @transform_0(%arg0: i32) -> i32 {
    %c0_i32 = arith.constant 0 : i32
    return %arg0 : i32
  }
  func.func @transform_1(%arg0: i32) -> i32 {
    %c0_i32 = arith.constant 0 : i32
    %c0_i32_0 = arith.constant 0 : i32
    return %c0_i32 : i32
  }
  func.func @transform_2(%arg0: i32) -> i32 {
    %c0_i32 = arith.constant 0 : i32
    %c0_i32_0 = arith.constant 0 : i32
    return %c0_i32 : i32
  }
  func.func @transform_3(%arg0: i32) -> i32 {
    %c0_i32 = arith.constant 0 : i32
    %c0_i32_0 = arith.constant 0 : i32
    return %c0_i32 : i32
  }
}

</mosaic_0001>

<sc_bundles>
// kernel: kernel.6.cloned.1.call-start
scs
__scs_entry_jumppad:
0x0: {  	(pc) =	sbr.rel $0x88, $3  }
0x1: {  	(tag) =	ssettag $0x0;
	lr =	simm.s32 $0x1  }
0x2: {  	[smem:$0x3F99] =	sst lr;
	_ =	strace $0xD0000000  }
0x3: {  	_ = 	snop  }
0x4: {  	_ = 	snop  }
0x5: {  	_ = 	snop  }
0x6: {  	_ = 	snop  }
0x7: {  	_ = 	snop  }
__scs_overlays_trampoline_lowered:
0x8: {  	[smem:$0x3FA8] =	sst s0  }
0x9: {  	[smem:$0x3FA9] =	sst s1  }
0xa: {  	[smem:$0x3FAA] =	sst s2  }
0xb: {  	[smem:$0x3FAB] =	sst s3  }
0xc: {  	[smem:$0x3FAC] =	sst s4  }
0xd: {  	[smem:$0x3FAD] =	sst s5  }
0xe: {  	[smem:$0x3FAE] =	sst s6  }
0xf: {  	[smem:$0x3FAF] =	sst s7  }
0x10: {  	[smem:$0x3FB0] =	sst s8  }
0x11: {  	[smem:$0x3FB1] =	sst s9;
	s0 =	simm.s32 @!p0 $0x0  }
0x12: {  	s1 =	sld [smem:$0x3F97];
	s0 =	simm.s32 @p0 $0x1  }
0x13: {  	[smem:$0x3FB2] =	sst s0;
	s0 =	simm.s32 @!p1 $0x0  }
0x14: {  	s2 =	sld [smem:$0x3F96];
	s0 =	simm.s32 @p1 $0x1  }
0x15: {  	[smem:$0x3FB3] =	sst s0;
	s0 =	simm.s32 @!p2 $0x0  }
0x16: {  	s3 =	sld [smem:$0x3FDB];
	s0 =	simm.s32 @p2 $0x1  }
0x17: {  	s4 =	simm.s32 $0x1BF5;
	[smem:$0x3FB5] =	sst s0  }
0x18: {  	s0 =	sld [smem:$0x3F98];
	_ =	swait.ge [sflag:s4], $0x0  }
0x19: {  	s7 =	sld [smem:$0x3F99]  }
0x1a: {  	s8 =	sadd.s32 $0xFFFFE003, lr  }
0x1b: {  	s9 =	sadd.s32 $0xFFFFFEF7, lr;
	s5 =	simm.s32 $0xFFFFFFFF;
	p2 =	slt.u32 s8, $0xFFFFF086  }
0x1c: {  	p1 =	slt.u32 s9, $0xF7A;
	s5 =	simm.s32 @!p2 $0x0  }
0x1d: {  	s5 =	simm.s32 @p1 $0x1;
	p0 =	seq.s32 s7, s2  }
0x1e: {  	s7 =	smul.u32 @!p0 $0xF7A, s2;
	p2 =	seq.s32 @!p0 s5, $0x0  }
0x1f: {  	s9 =	smul.u32 $0xF7A, s1;
	s8 =	simm.s32 @!p0 $0x1BF5;
	p2 =	por !p2, p0  }
0x20: {  	[sflag:s8] =	ssyncset.s32 @!p0 $0xFFFFF086;
	s6 =	sadd.s32 @!p0 s3, s7;
	s7 =	simm.s32 @!p0 $0x108  }
0x21: {  	s3 =	sadd.s32 s3, s9;
	s6 =	sadd.s32 @!p0 $0x88, s6;
	s7 =	simm.s32 @p2 $0x1082  }
0x22: {  	[simem:s7], [sflag:s8] =	dma.local @!p0 [hbm:s6], $0xF7A  }
0x23: {  	s9 =	sor.u32 $0xD0000000, s2;
	s6 =	simm.s32 $0x108;
	_ =	swait.ge @!p0 [sflag:s8], $0x0  }
0x24: {  	s3 =	sadd.s32 $0x88, s3;
	s6 =	simm.s32 @!p1 $0x1082;
	[sflag:s4] =	ssyncset.s32 $0xFFFFF086  }
0x25: {  	[simem:s6], [sflag:s4] =	dma.local [hbm:s3], $0xF7A  }
0x26: {  	[smem:$0x3F99] =	sst s1;
	(tag) =	ssettag s2;
	_ =	strace s9  }
0x27: {  	s1 =	sld [smem:$0x3FA9]  }
0x28: {  	s2 =	sld [smem:$0x3FAA]  }
0x29: {  	s4 =	sld [smem:$0x3FAC]  }
0x2a: {  	p0 =	seq.s32 s5, $0x0;
	s5 =	sld [smem:$0x3FAD]  }
0x2b: {  	s6 =	sld [smem:$0x3FAE]  }
0x2c: {  	s7 =	sld [smem:$0x3FAF]  }
0x2d: {  	s3 =	simm.s32 $0x108;
	s8 =	sld [smem:$0x3FB0]  }
0x2e: {  	s3 =	simm.s32 @!p0 $0x1082;
	s9 =	sld [smem:$0x3FB1]  }
0x2f: {  	lr =	sadd.s32 s0, s3;
	s0 =	sld [smem:$0x3FA8]  }
0x30: {  	s3 =	sld [smem:$0x3FAB]  }
0x31: {  	[smem:$0x3FB4] =	sst s10  }
0x32: {  	s10 =	sld [smem:$0x3FB2];
	_ =	sdelay $0x3  }
0x33: {  	p0 =	seq.s32 s10, $0x1;
	s10 =	sld [smem:$0x3FB4];
	_ =	sdelay $0x3  }
0x34: {  	[smem:$0x3FB4] =	sst s10  }
0x35: {  	s10 =	sld [smem:$0x3FB3];
	_ =	sdelay $0x3  }
0x36: {  	p1 =	seq.s32 s10, $0x1;
	s10 =	sld [smem:$0x3FB4];
	_ =	sdelay $0x3  }
0x37: {  	[smem:$0x3FB4] =	sst s10  }
0x38: {  	s10 =	sld [smem:$0x3FB5]  }
0x39: {  	_ = 	snop;
	(pc) =	sbr.ind lr, $3  }
0x3a: {  	_ = 	snop  }
0x3b: {  	_ = 	snop  }
0x3c: {  	p2 =	seq.s32 s10, $0x1;
	s10 =	sld [smem:$0x3FB4]  }
0x3d: {  	_ =	shalt  }
0x3e: {  	_ =	shalt  }
0x3f: {  	_ =	shalt  }
0x40: {  	_ =	shalt  }
0x41: {  	_ =	shalt  }
0x42: {  	_ =	shalt  }
0x43: {  	_ =	shalt  }
0x44: {  	_ =	shalt  }
0x45: {  	_ =	shalt  }
0x46: {  	_ =	shalt  }
0x47: {  	_ =	shalt  }
0x48: {  	_ =	shalt  }
0x49: {  	_ =	shalt  }
0x4a: {  	_ =	shalt  }
0x4b: {  	_ =	shalt  }
0x4c: {  	_ =	shalt  }
0x4d: {  	_ =	shalt  }
0x4e: {  	_ =	shalt  }
0x4f: {  	_ =	shalt  }
0x50: {  	_ =	shalt  }
0x51: {  	_ =	shalt  }
0x52: {  	_ =	shalt  }
0x53: {  	_ =	shalt  }
0x54: {  	_ =	shalt  }
0x55: {  	_ =	shalt  }
0x56: {  	_ =	shalt  }
0x57: {  	_ =	shalt  }
0x58: {  	_ =	shalt  }
0x59: {  	_ =	shalt  }
0x5a: {  	_ =	shalt  }
0x5b: {  	_ =	shalt  }
0x5c: {  	_ =	shalt  }
0x5d: {  	_ =	shalt  }
0x5e: {  	_ =	shalt  }
0x5f: {  	_ =	shalt  }
0x60: {  	_ =	shalt  }
0x61: {  	_ =	shalt  }
0x62: {  	_ =	shalt  }
0x63: {  	_ =	shalt  }
0x64: {  	_ =	shalt  }
0x65: {  	_ =	shalt  }
0x66: {  	_ =	shalt  }
0x67: {  	_ =	shalt  }
0x68: {  	_ =	shalt  }
0x69: {  	_ =	shalt  }
0x6a: {  	_ =	shalt  }
0x6b: {  	_ =	shalt  }
0x6c: {  	_ =	shalt  }
0x6d: {  	_ =	shalt  }
0x6e: {  	_ =	shalt  }
0x6f: {  	_ =	shalt  }
0x70: {  	_ =	shalt  }
0x71: {  	_ =	shalt  }
0x72: {  	_ =	shalt  }
0x73: {  	_ =	shalt  }
0x74: {  	_ =	shalt  }
0x75: {  	_ =	shalt  }
0x76: {  	_ =	shalt  }
0x77: {  	_ =	shalt  }
0x78: {  	_ =	shalt  }
0x79: {  	_ =	shalt  }
0x7a: {  	_ =	shalt  }
0x7b: {  	_ =	shalt  }
0x7c: {  	_ =	shalt  }
0x7d: {  	_ =	shalt  }
0x7e: {  	_ =	shalt  }
0x7f: {  	_ =	shalt  }
0x80: {  	_ =	shalt  }
0x81: {  	_ =	shalt  }
0x82: {  	_ =	shalt  }
0x83: {  	_ =	shalt  }
0x84: {  	_ =	shalt  }
0x85: {  	_ =	shalt  }
0x86: {  	_ =	shalt  }
0x87: {  	_ =	shalt  }
.Lfunc_end0:
.L_simem_size_0:
called_computation_lowered:
.L_overlay_start_0:
0x88: {  	s2 =	sld [smem:$0x3FD9]  }
0x89: {  	s3 =	sld [smem:$0x3FFE];
	_ =	sdelay $0x1  }
0x8a: {  	s1 =	srdreg.scid  }
0x8b: {  	s0 =	sand.u32 $0x1, s1  }
0x8c: {  	s16 =	sshll.u32 s0, $0xA;
	s2 =	sadd.s32 s3, s2  }
0x8d: {  	s2 =	sadd.s32 s2, s16  }
0x8e: {  	[smem:$0x3FC0] =	sst s2  }
0x8f: {  	_ = 	snop  }
0x90: {  	(tm) =	ssettm $0x1  }
0x91: {  	s17 =	sld [smem:$0x3FFB];
	_ =	sdelay $0x3  }
0x92: {  	_ =	strace s17  }
0x93: {  	s2 =	sld [smem:$0x3FFC];
	_ =	sdelay $0x3  }
0x94: {  	_ =	strace s2  }
0x95: {  	s2 =	sld [smem:$0x3FFD];
	_ =	sdelay $0x3  }
0x96: {  	_ =	strace s2  }
0x97: {  	_ =	strace $0x8FFFFFFF  }
0x98: {  	s18 =	sld [smem:$0x3FDB];
	_ =	sdelay $0x1  }
0x99: {  	s19 =	simm.s32 $_scs_section_size  }
0x9a: {  	s4 =	simm.s32 $_size__tile_overlayer_lowered;
	s5 =	simm.s32 $_tile_overlayer_lowered  }
0x9b: {  	s22 =	simm.s32 $0x1BFF;
	s21 =	sshll.u32 s5, $0x1;
	s2 =	sadd.s32 s19, s18  }
0x9c: {  	s6 =	simm.s32 $0x0;
	s20 =	sshll.u32 s4, $0x1;
	s4 =	sadd.s32 s21, s2  }
0x9d: {  	[timem:s6], [sflag:s22] =	dma.local [hbm:s4], s20  }
0x9e: {  	_ =	swait.ge [sflag:s22], s20  }
0x9f: {  	s3 =	ssub.s32 $0x0, s20;
	[sflag:s22] =	ssyncset.done $0x0  }
0xa0: {  	[sflag:s22] =	ssyncadd.s32 s3;
	_ =	sdelay $0x1  }
0xa1: {  	s23 =	simm.s32 $0x1B8B  }
0xa2: {  	_ =	swait.ge [sflag:s23], $0x1  }
0xa3: {  	[sflag:s23] =	ssyncset.done $0x0  }
0xa4: {  	s25 =	simm.s32 $0x1B8E;
	s24 =	sld [smem:$0x3FFE];
	[sflag:s23] =	ssyncadd.s32 $0xFFFFFFFF  }
0xa5: {  	s26 =	simm.s32 $execute0_lowered;
	[smem:$0x3FD2] =	sst s25  }
0xa6: {  	s4 =	sshll.u32 s26, $0x1;
	_ =	strace $0x80000046;
	[dreg:$0x1] =	wrdreg $0xFFFFFFFF  }
0xa7: {  	s28 =	simm.s32 $_size_execute0_lowered;
	s2 =	sadd.s32 s2, s4;
	[dreg:$0x0] =	wrdreg $0x0  }
0xa8: {  	s4 =	sshll.u32 s28, $0x1;
	[dreg:$0x2] =	wrdreg s2  }
0xa9: {  	[dreg:$0x3] =	wrdreg s4  }
0xaa: {  	[dreg:$0x4] =	wrdreg $0xC0  }
0xab: {  	_ =	task [dreg:s6], $0x5FFFF  }
0xac: {  	[dreg:$0x1] =	wrdreg $0xFFFFFFFF  }
0xad: {  	[dreg:$0x0] =	wrdreg $0x60  }
0xae: {  	[dreg:$0x2] =	wrdreg s24  }
0xaf: {  	[dreg:$0x3] =	wrdreg $0x9  }
0xb0: {  	_ =	task.clear_ibuf [dreg:s6], $0x4FFFF;
	_ =	strace $0x90000046  }
0xb1: {  	s29 =	simm.s32 $0x9;
	_ =	strace $0x80000048  }
0xb2: {  	_ =	swait.ge [sflag:s29], $0x1  }
0xb3: {  	[sflag:s29] =	ssyncadd.s32 $0xFFFFFFFF  }
0xb4: {  	_ =	strace $0x90000048  }
0xb5: {  	_ =	sfence  }
0xb6: {  	s30 =	sld [smem:$0x0];
	_ =	sdelay $0x2  }
0xb7: {  	s31 =	sshll.u32 s1, $0xD;
	s1 =	sshrl.u32 s1, $0x2  }
0xb8: {  	s3 =	sand.u32 $0x4000, s31;
	s1 =	sadd.s32 s1, s30  }
0xb9: {  	s0 =	sor.u32 s3, s0;
	s1 =	sshll.u32 s1, $0x11  }
0xba: {  	s0 =	sor.u32 s1, s0  }
0xbb: {  	s0 =	sadd.s32 $0x8F2B, s0  }
0xbc: {  	[sflag:s0] =	ssyncadd.remote.s32 $0x1  }
0xbd: {  	_ =	sfence.sel $0xFFFF  }
0xbe: {  	[dreg:$0x0] =	wrdreg $0xFFFFFFFF;
	(pc) =	sbr.abs _section_cstart, $3  }
0xbf: {  	[dreg:$0x1] =	wrdreg $0xFFFFFFFF  }
0xc0: {  	_ =	task.clear_ibuf [dreg:s6], $0x2FFFF;
	_ =	strace $0x9FFFFFFF  }
0xc1: {  	(tm) =	ssettm $0x7FFFFFFF  }
tec
execute0_lowered:
.L_overlay_start_1:
0x0: {  	(tag) =	ssettag $0x1  }
0x1: {  	s0 =	srdreg.scid  }
0x2: {  	s5 =	rddreg [dreg:$0x0];
	s1 =	stileid.u32;
	s2 =	simm.s32 $0x0  }
0x3: {  	s11 =	simm.s32 $0x1;
	s12 =	simm.s32 $0x2;
	s13 =	simm.s32 $0x1A000  }
0x4: {  	s14 =	simm.s32 $0x3;
	s15 =	simm.s32 $0x4;
	s3 =	sand.u32 $0x1, s0  }
0x5: {  	s16 =	simm.s32 $0x0;
	s0 =	rddreg [dreg:$0x1];
	s4 =	sshll.u32 s3, $0x4  }
0x6: {  	[smem:$0x7FF] =	sst s2;
	s7 =	ssub.s32 $0x2, s3;
	s4 =	sor.u32 s1, s4  }
0x7: {  	_ =	strace $0x80000047;
	s9 =	sshrl.u32 s7, $0x1;
	s6 =	smul.u32 $0x3200, s4  }
0x8: {  	s3 =	sadd.s32 $0xC5A00, s5;
	s8 =	smul.u32 $0x30D40, s4;
	s9 =	ssub.s32 s7, s9  }
0x9: {  	s4 =	sadd.s32 $0x189000, s5;
	s9 =	smax.u32 s9, $0x1;
	s10 =	sadd.s32 s6, s5  }
0xa: {  	s31 =	sshrl.u32 s8, $0x3;
	s6 =	sadd.s32 $0xFA0, s8;
	s7 =	sadd.s32 $0x1F40, s8  }
0xb: {  	v0 =	vimm.f32 $1.000000000e+00;
	s5 =	sadd.s32 s3, s31;
	s8 =	sadd.s32 $0x18C200, s10;
	s10 =	simm.s32 $0x19000  }
.LBB2_1:
0xc: {  	[tilespmem:s2], [sflag:$0x1] =	stream.linear.gather [hbm4b:s4+s2], $0x19000, $0x38;
	[tilespmem:$0x1B000] =	vst v63  }
0xd: {  	_ = 	snop  }
0xe: {  	[tilespmem:s10], [sflag:$0x2] =	stream.linear.gather [hbm4b:s5+s2], $0xFA0, $0x38;
	[tilespmem:$0x1B000] =	vst v63  }
0xf: {  	_ =	swait.ge [sflag:s11], $0x19000  }
0x10: {  	[sflag:s11] =	ssyncset.done $0x0  }
0x11: {  	s17 =	simm.s32 $0x0;
	[sflag:s11] =	ssyncadd.s32 $0xFFFE7000  }
.LBB2_2:
0x12: {  	s18 =	smul.u32 $0x1F40, s17;
	_ =	sdelay $0x1  }
0x13: {  	_ =	swait.ge [sflag:s12], $0xFA0;
	s19 =	sadd.s32 s18, s6  }
0x14: {  	[sflag:s12] =	ssyncset.done $0x0;
	s19 =	sshrl.u32 s19, $0x3  }
0x15: {  	[sflag:s12] =	ssyncadd.s32 $0xFFFFF060;
	s20 =	sadd.s32 s3, s19;
	s19 =	simm.s32 $0x0  }
0x16: {  	[tilespmem:s13], [sflag:$0x3] =	stream.linear.gather [hbm4b:s20+s19], $0xFA0, $0x38;
	[tilespmem:$0x1B000] =	vst v63  }
.LBB2_3:
0x17: {  	s20 =	sshra.s32 s19, $0x2  }
0x18: {  	v1 =	vld [tilespmem:s20+$0x19000];
	_ =	sdelay $0x7  }
0x19: {  	[tilespmem:v1+s2+$0x0] =	vst.idx.add.f32.msk $0xffff, v0  }
0x1a: {  	v1 =	vld [tilespmem:s20+$0x19010];
	_ =	sdelay $0x7  }
0x1b: {  	[tilespmem:v1+s2+$0x0] =	vst.idx.add.f32.msk $0xffff, v0  }
0x1c: {  	v1 =	vld [tilespmem:s20+$0x19020];
	_ =	sdelay $0x7  }
0x1d: {  	[tilespmem:v1+s2+$0x0] =	vst.idx.add.f32.msk $0xffff, v0  }
0x1e: {  	v1 =	vld [tilespmem:s20+$0x19030];
	_ =	sdelay $0x7  }
0x1f: {  	[tilespmem:v1+s2+$0x0] =	vst.idx.add.f32.msk $0xffff, v0  }
0x20: {  	v1 =	vld [tilespmem:s20+$0x19040];
	_ =	sdelay $0x2  }
0x21: {  	p0 =	sne.s32 s19, $0x3D40  }
.Ltmp0:
0x22: {  	_ = 	snop;
	(pc) =	sbr.rel @p0 .LBB2_3-.Ltmp0, $2  }
0x23: {  	_ =	sdelay $0x2  }
0x24: {  	s19 =	sadd.s32 $0x140, s19;
	[tilespmem:v1+s2+$0x0] =	vst.idx.add.f32.msk $0xffff, v0  }
0x25: {  	p0 =	seq.s32 s17, $0x18  }
0x26: {  	_ =	swait.ge [sflag:s14], $0xFA0;
	s18 =	sadd.s32 @!p0 s18, s7  }
0x27: {  	[sflag:s14] =	ssyncset.done $0x0;
	s19 =	simm.s32 @!p0 $0x0;
	s18 =	sshrl.u32 @!p0 s18, $0x3  }
0x28: {  	s20 =	simm.s32 @!p0 $0x19000;
	[sflag:s14] =	ssyncadd.s32 $0xFFFFF060;
	s18 =	sadd.s32 @!p0 s3, s18  }
0x29: {  	[tilespmem:s20], [sflag:$0x2] =	stream.linear.gather @!p0 [hbm4b:s18+s19], $0xFA0, $0x38;
	[tilespmem:$0x1B000] =	vst v63  }
0x2a: {  	s18 =	simm.s32 $0x0  }
.LBB2_5:
0x2b: {  	s19 =	sshra.s32 s18, $0x2  }
0x2c: {  	v1 =	vld [tilespmem:s19+$0x1A000];
	_ =	sdelay $0x7  }
0x2d: {  	[tilespmem:v1+s2+$0x0] =	vst.idx.add.f32.msk $0xffff, v0  }
0x2e: {  	v1 =	vld [tilespmem:s19+$0x1A010];
	_ =	sdelay $0x7  }
0x2f: {  	[tilespmem:v1+s2+$0x0] =	vst.idx.add.f32.msk $0xffff, v0  }
0x30: {  	v1 =	vld [tilespmem:s19+$0x1A020];
	_ =	sdelay $0x7  }
0x31: {  	[tilespmem:v1+s2+$0x0] =	vst.idx.add.f32.msk $0xffff, v0  }
0x32: {  	v1 =	vld [tilespmem:s19+$0x1A030];
	_ =	sdelay $0x7  }
0x33: {  	[tilespmem:v1+s2+$0x0] =	vst.idx.add.f32.msk $0xffff, v0  }
0x34: {  	v1 =	vld [tilespmem:s19+$0x1A040];
	_ =	sdelay $0x2  }
0x35: {  	p0 =	sne.s32 s18, $0x3D40  }
.Ltmp1:
0x36: {  	_ = 	snop;
	(pc) =	sbr.rel @p0 .LBB2_5-.Ltmp1, $2  }
0x37: {  	_ =	sdelay $0x2  }
0x38: {  	s18 =	sadd.s32 $0x140, s18;
	[tilespmem:v1+s2+$0x0] =	vst.idx.add.f32.msk $0xffff, v0  }
0x39: {  	s17 =	sadd.s32 $0x1, s17  }
0x3a: {  	p0 =	sne.s32 s17, $0x19  }
.Ltmp2:
0x3b: {  	_ = 	snop;
	(pc) =	sbr.rel @p0 .LBB2_2-.Ltmp2, $1  }
0x3c: {  	_ =	sdelay $0x3  }
0x3d: {  	s16 =	sadd.s32 $0x1, s16  }
0x3e: {  	p0 =	sne.s32 s16, s9  }
.Ltmp3:
0x3f: {  	_ = 	snop;
	(pc) =	sbr.rel @p0 .LBB2_1-.Ltmp3, $4  }
0x40: {  	[hbm4b:s8+s2] =	stream.linear.scatter [tilespmem:s2], [sflag:$0x4], $0x19000, $0x38;
	[tilespmem:$0x1B000] =	vst v63  }
0x41: {  	_ =	swait.ge [sflag:s15], $0x19000  }
0x42: {  	[sflag:s15] =	ssyncset.done $0x0  }
0x43: {  	[sflag:s15] =	ssyncadd.s32 $0xFFFE7000  }
0x44: {  	_ =	sfence.sel $0x180000  }
0x45: {  	[bflag:$0x0] =	sbarrier.arrive $0xFFFF  }
0x46: {  	p0 =	sne.s32 s1, $0x0;
	_ =	strace $0x90000047  }
0x47: {  	s0 =	sadd.s32 @!p0 $0x100000, s0;
	[bflag:$0x2] =	sbarrier.arrive $0xFFFF  }
0x48: {  	[sflag:s0] =	ssyncadd.tile.s32 @!p0 $0x1;
	_ =	shalt  }
.Lfunc_end2:
_tile_overlayer_lowered:
.L_overlay_start_2:
0x49: {  	(tag) =	ssettag $0x2  }
0x4a: {  	s0 =	rddreg [dreg:$0x0];
	s2 =	stileid.u32  }
0x4b: {  	s1 =	rddreg [dreg:$0x1];
	p0 =	sne.s32 s2, $0x0  }
0x4c: {  	s3 =	rddreg [dreg:$0x2];
	[bflag:$0x3] =	sbarrier.arrive $0xFFFF;
	s2 =	simm.s32 @!p0 $0x1C04  }
0x4d: {  	[timem:s3], [sflag:s2] =	dma.local @!p0 [hbm:s0], s1  }
0x4e: {  	s0 =	simm.s32 @!p0 $0x4  }
0x4f: {  	_ =	swait.ge @!p0 [sflag:s0], s1  }
0x50: {  	s1 =	ssub.s32 @!p0 $0x0, s1;
	[sflag:s0] =	ssyncset.done @!p0 $0x0  }
0x51: {  	[sflag:s0] =	ssyncadd.s32 @!p0 s1  }
0x52: {  	[bflag:$0x3] =	sbarrier.arrive $0xFFFF  }
0x53: {  	_ =	shalt  }

// kernel: kernel.9.cloned.1.call-start
scs
__scs_entry_jumppad:
0x0: {  	(pc) =	sbr.rel $0x88, $3  }
0x1: {  	(tag) =	ssettag $0x0;
	lr =	simm.s32 $0x1  }
0x2: {  	[smem:$0x3F99] =	sst lr;
	_ =	strace $0xD0000000  }
0x3: {  	_ = 	snop  }
0x4: {  	_ = 	snop  }
0x5: {  	_ = 	snop  }
0x6: {  	_ = 	snop  }
0x7: {  	_ = 	snop  }
__scs_overlays_trampoline_lowered:
0x8: {  	[smem:$0x3FA8] =	sst s0  }
0x9: {  	[smem:$0x3FA9] =	sst s1  }
0xa: {  	[smem:$0x3FAA] =	sst s2  }
0xb: {  	[smem:$0x3FAB] =	sst s3  }
0xc: {  	[smem:$0x3FAC] =	sst s4  }
0xd: {  	[smem:$0x3FAD] =	sst s5  }
0xe: {  	[smem:$0x3FAE] =	sst s6  }
0xf: {  	[smem:$0x3FAF] =	sst s7  }
0x10: {  	[smem:$0x3FB0] =	sst s8  }
0x11: {  	[smem:$0x3FB1] =	sst s9;
	s0 =	simm.s32 @!p0 $0x0  }
0x12: {  	s1 =	sld [smem:$0x3F97];
	s0 =	simm.s32 @p0 $0x1  }
0x13: {  	[smem:$0x3FB2] =	sst s0;
	s0 =	simm.s32 @!p1 $0x0  }
0x14: {  	s2 =	sld [smem:$0x3F96];
	s0 =	simm.s32 @p1 $0x1  }
0x15: {  	[smem:$0x3FB3] =	sst s0;
	s0 =	simm.s32 @!p2 $0x0  }
0x16: {  	s3 =	sld [smem:$0x3FDB];
	s0 =	simm.s32 @p2 $0x1  }
0x17: {  	s4 =	simm.s32 $0x1BF5;
	[smem:$0x3FB5] =	sst s0  }
0x18: {  	s0 =	sld [smem:$0x3F98];
	_ =	swait.ge [sflag:s4], $0x0  }
0x19: {  	s7 =	sld [smem:$0x3F99]  }
0x1a: {  	s8 =	sadd.s32 $0xFFFFE003, lr  }
0x1b: {  	s9 =	sadd.s32 $0xFFFFFEF7, lr;
	s5 =	simm.s32 $0xFFFFFFFF;
	p2 =	slt.u32 s8, $0xFFFFF086  }
0x1c: {  	p1 =	slt.u32 s9, $0xF7A;
	s5 =	simm.s32 @!p2 $0x0  }
0x1d: {  	s5 =	simm.s32 @p1 $0x1;
	p0 =	seq.s32 s7, s2  }
0x1e: {  	s7 =	smul.u32 @!p0 $0xF7A, s2;
	p2 =	seq.s32 @!p0 s5, $0x0  }
0x1f: {  	s9 =	smul.u32 $0xF7A, s1;
	s8 =	simm.s32 @!p0 $0x1BF5;
	p2 =	por !p2, p0  }
0x20: {  	[sflag:s8] =	ssyncset.s32 @!p0 $0xFFFFF086;
	s6 =	sadd.s32 @!p0 s3, s7;
	s7 =	simm.s32 @!p0 $0x108  }
0x21: {  	s3 =	sadd.s32 s3, s9;
	s6 =	sadd.s32 @!p0 $0x88, s6;
	s7 =	simm.s32 @p2 $0x1082  }
0x22: {  	[simem:s7], [sflag:s8] =	dma.local @!p0 [hbm:s6], $0xF7A  }
0x23: {  	s9 =	sor.u32 $0xD0000000, s2;
	s6 =	simm.s32 $0x108;
	_ =	swait.ge @!p0 [sflag:s8], $0x0  }
0x24: {  	s3 =	sadd.s32 $0x88, s3;
	s6 =	simm.s32 @!p1 $0x1082;
	[sflag:s4] =	ssyncset.s32 $0xFFFFF086  }
0x25: {  	[simem:s6], [sflag:s4] =	dma.local [hbm:s3], $0xF7A  }
0x26: {  	[smem:$0x3F99] =	sst s1;
	(tag) =	ssettag s2;
	_ =	strace s9  }
0x27: {  	s1 =	sld [smem:$0x3FA9]  }
0x28: {  	s2 =	sld [smem:$0x3FAA]  }
0x29: {  	s4 =	sld [smem:$0x3FAC]  }
0x2a: {  	p0 =	seq.s32 s5, $0x0;
	s5 =	sld [smem:$0x3FAD]  }
0x2b: {  	s6 =	sld [smem:$0x3FAE]  }
0x2c: {  	s7 =	sld [smem:$0x3FAF]  }
0x2d: {  	s3 =	simm.s32 $0x108;
	s8 =	sld [smem:$0x3FB0]  }
0x2e: {  	s3 =	simm.s32 @!p0 $0x1082;
	s9 =	sld [smem:$0x3FB1]  }
0x2f: {  	lr =	sadd.s32 s0, s3;
	s0 =	sld [smem:$0x3FA8]  }
0x30: {  	s3 =	sld [smem:$0x3FAB]  }
0x31: {  	[smem:$0x3FB4] =	sst s10  }
0x32: {  	s10 =	sld [smem:$0x3FB2];
	_ =	sdelay $0x3  }
0x33: {  	p0 =	seq.s32 s10, $0x1;
	s10 =	sld [smem:$0x3FB4];
	_ =	sdelay $0x3  }
0x34: {  	[smem:$0x3FB4] =	sst s10  }
0x35: {  	s10 =	sld [smem:$0x3FB3];
	_ =	sdelay $0x3  }
0x36: {  	p1 =	seq.s32 s10, $0x1;
	s10 =	sld [smem:$0x3FB4];
	_ =	sdelay $0x3  }
0x37: {  	[smem:$0x3FB4] =	sst s10  }
0x38: {  	s10 =	sld [smem:$0x3FB5]  }
0x39: {  	_ = 	snop;
	(pc) =	sbr.ind lr, $3  }
0x3a: {  	_ = 	snop  }
0x3b: {  	_ = 	snop  }
0x3c: {  	p2 =	seq.s32 s10, $0x1;
	s10 =	sld [smem:$0x3FB4]  }
0x3d: {  	_ =	shalt  }
0x3e: {  	_ =	shalt  }
0x3f: {  	_ =	shalt  }
0x40: {  	_ =	shalt  }
0x41: {  	_ =	shalt  }
0x42: {  	_ =	shalt  }
0x43: {  	_ =	shalt  }
0x44: {  	_ =	shalt  }
0x45: {  	_ =	shalt  }
0x46: {  	_ =	shalt  }
0x47: {  	_ =	shalt  }
0x48: {  	_ =	shalt  }
0x49: {  	_ =	shalt  }
0x4a: {  	_ =	shalt  }
0x4b: {  	_ =	shalt  }
0x4c: {  	_ =	shalt  }
0x4d: {  	_ =	shalt  }
0x4e: {  	_ =	shalt  }
0x4f: {  	_ =	shalt  }
0x50: {  	_ =	shalt  }
0x51: {  	_ =	shalt  }
0x52: {  	_ =	shalt  }
0x53: {  	_ =	shalt  }
0x54: {  	_ =	shalt  }
0x55: {  	_ =	shalt  }
0x56: {  	_ =	shalt  }
0x57: {  	_ =	shalt  }
0x58: {  	_ =	shalt  }
0x59: {  	_ =	shalt  }
0x5a: {  	_ =	shalt  }
0x5b: {  	_ =	shalt  }
0x5c: {  	_ =	shalt  }
0x5d: {  	_ =	shalt  }
0x5e: {  	_ =	shalt  }
0x5f: {  	_ =	shalt  }
0x60: {  	_ =	shalt  }
0x61: {  	_ =	shalt  }
0x62: {  	_ =	shalt  }
0x63: {  	_ =	shalt  }
0x64: {  	_ =	shalt  }
0x65: {  	_ =	shalt  }
0x66: {  	_ =	shalt  }
0x67: {  	_ =	shalt  }
0x68: {  	_ =	shalt  }
0x69: {  	_ =	shalt  }
0x6a: {  	_ =	shalt  }
0x6b: {  	_ =	shalt  }
0x6c: {  	_ =	shalt  }
0x6d: {  	_ =	shalt  }
0x6e: {  	_ =	shalt  }
0x6f: {  	_ =	shalt  }
0x70: {  	_ =	shalt  }
0x71: {  	_ =	shalt  }
0x72: {  	_ =	shalt  }
0x73: {  	_ =	shalt  }
0x74: {  	_ =	shalt  }
0x75: {  	_ =	shalt  }
0x76: {  	_ =	shalt  }
0x77: {  	_ =	shalt  }
0x78: {  	_ =	shalt  }
0x79: {  	_ =	shalt  }
0x7a: {  	_ =	shalt  }
0x7b: {  	_ =	shalt  }
0x7c: {  	_ =	shalt  }
0x7d: {  	_ =	shalt  }
0x7e: {  	_ =	shalt  }
0x7f: {  	_ =	shalt  }
0x80: {  	_ =	shalt  }
0x81: {  	_ =	shalt  }
0x82: {  	_ =	shalt  }
0x83: {  	_ =	shalt  }
0x84: {  	_ =	shalt  }
0x85: {  	_ =	shalt  }
0x86: {  	_ =	shalt  }
0x87: {  	_ =	shalt  }
.Lfunc_end0:
.L_simem_size_0:
called_computation.1_lowered:
.L_overlay_start_0:
0x88: {  	s2 =	sld [smem:$0x3FD9]  }
0x89: {  	s3 =	sld [smem:$0x3FFE];
	_ =	sdelay $0x1  }
0x8a: {  	s1 =	srdreg.scid  }
0x8b: {  	s0 =	sand.u32 $0x1, s1  }
0x8c: {  	s16 =	sshll.u32 s0, $0xA;
	s2 =	sadd.s32 s3, s2  }
0x8d: {  	s2 =	sadd.s32 s2, s16  }
0x8e: {  	[smem:$0x3FC0] =	sst s2  }
0x8f: {  	_ = 	snop  }
0x90: {  	(tm) =	ssettm $0x1  }
0x91: {  	s17 =	sld [smem:$0x3FFB];
	_ =	sdelay $0x3  }
0x92: {  	_ =	strace s17  }
0x93: {  	s2 =	sld [smem:$0x3FFC];
	_ =	sdelay $0x3  }
0x94: {  	_ =	strace s2  }
0x95: {  	s2 =	sld [smem:$0x3FFD];
	_ =	sdelay $0x3  }
0x96: {  	_ =	strace s2  }
0x97: {  	_ =	strace $0x8FFFFFFF  }
0x98: {  	s18 =	sld [smem:$0x3FDB];
	_ =	sdelay $0x1  }
0x99: {  	s19 =	simm.s32 $_scs_section_size  }
0x9a: {  	s4 =	simm.s32 $_size__tile_overlayer_lowered;
	s5 =	simm.s32 $_tile_overlayer_lowered  }
0x9b: {  	s22 =	simm.s32 $0x1BFF;
	s21 =	sshll.u32 s5, $0x1;
	s2 =	sadd.s32 s19, s18  }
0x9c: {  	s6 =	simm.s32 $0x0;
	s20 =	sshll.u32 s4, $0x1;
	s4 =	sadd.s32 s21, s2  }
0x9d: {  	[timem:s6], [sflag:s22] =	dma.local [hbm:s4], s20  }
0x9e: {  	_ =	swait.ge [sflag:s22], s20  }
0x9f: {  	s3 =	ssub.s32 $0x0, s20;
	[sflag:s22] =	ssyncset.done $0x0  }
0xa0: {  	[sflag:s22] =	ssyncadd.s32 s3;
	_ =	sdelay $0x1  }
0xa1: {  	s23 =	simm.s32 $0x1B8B  }
0xa2: {  	_ =	swait.ge [sflag:s23], $0x1  }
0xa3: {  	[sflag:s23] =	ssyncset.done $0x0  }
0xa4: {  	s25 =	simm.s32 $0x1B8E;
	s24 =	sld [smem:$0x3FFE];
	[sflag:s23] =	ssyncadd.s32 $0xFFFFFFFF  }
0xa5: {  	s26 =	simm.s32 $execute0_lowered;
	[smem:$0x3FD2] =	sst s25  }
0xa6: {  	s4 =	sshll.u32 s26, $0x1;
	_ =	strace $0x80000049;
	[dreg:$0x1] =	wrdreg $0xFFFFFFFF  }
0xa7: {  	s28 =	simm.s32 $_size_execute0_lowered;
	s2 =	sadd.s32 s2, s4;
	[dreg:$0x0] =	wrdreg $0x0  }
0xa8: {  	s4 =	sshll.u32 s28, $0x1;
	[dreg:$0x2] =	wrdreg s2  }
0xa9: {  	[dreg:$0x3] =	wrdreg s4  }
0xaa: {  	[dreg:$0x4] =	wrdreg $0xC0  }
0xab: {  	_ =	task [dreg:s6], $0x5FFFF  }
0xac: {  	[dreg:$0x1] =	wrdreg $0xFFFFFFFF  }
0xad: {  	[dreg:$0x0] =	wrdreg $0x60  }
0xae: {  	[dreg:$0x2] =	wrdreg s24  }
0xaf: {  	[dreg:$0x3] =	wrdreg $0x1C0000  }
0xb0: {  	[dreg:$0x4] =	wrdreg $0x1D9000  }
0xb1: {  	[dreg:$0x5] =	wrdreg $0x9  }
0xb2: {  	_ =	task.clear_ibuf [dreg:s6], $0x6FFFF;
	_ =	strace $0x90000049  }
0xb3: {  	s29 =	simm.s32 $0x9;
	_ =	strace $0x8000004B  }
0xb4: {  	_ =	swait.ge [sflag:s29], $0x1  }
0xb5: {  	[sflag:s29] =	ssyncadd.s32 $0xFFFFFFFF  }
0xb6: {  	_ =	strace $0x9000004B  }
0xb7: {  	_ =	sfence  }
0xb8: {  	s30 =	sld [smem:$0x0];
	_ =	sdelay $0x2  }
0xb9: {  	s31 =	sshll.u32 s1, $0xD;
	s1 =	sshrl.u32 s1, $0x2  }
0xba: {  	s3 =	sand.u32 $0x4000, s31;
	s1 =	sadd.s32 s1, s30  }
0xbb: {  	s0 =	sor.u32 s3, s0;
	s1 =	sshll.u32 s1, $0x11  }
0xbc: {  	s0 =	sor.u32 s1, s0  }
0xbd: {  	s0 =	sadd.s32 $0x8F2B, s0  }
0xbe: {  	[sflag:s0] =	ssyncadd.remote.s32 $0x1  }
0xbf: {  	_ =	sfence.sel $0xFFFF  }
0xc0: {  	[dreg:$0x0] =	wrdreg $0xFFFFFFFF;
	(pc) =	sbr.abs _section_cstart, $3  }
0xc1: {  	[dreg:$0x1] =	wrdreg $0xFFFFFFFF  }
0xc2: {  	_ =	task.clear_ibuf [dreg:s6], $0x2FFFF;
	_ =	strace $0x9FFFFFFF  }
0xc3: {  	(tm) =	ssettm $0x7FFFFFFF  }
tec
execute0_lowered:
.L_overlay_start_1:
0x0: {  	(tag) =	ssettag $0x1  }
0x1: {  	s0 =	rddreg [dreg:$0x0]  }
0x2: {  	s1 =	rddreg [dreg:$0x1]  }
0x3: {  	s2 =	rddreg [dreg:$0x2]  }
0x4: {  	s3 =	simm.s32 $0x0;
	s4 =	srdreg.scid;
	s14 =	stileid.u32  }
0x5: {  	s19 =	simm.s32 $0x5;
	s20 =	simm.s32 $0x19000;
	s28 =	simm.s32 $0x19800  }
0x6: {  	s29 =	simm.s32 $0x1A800;
	s30 =	simm.s32 $0x2;
	s31 =	simm.s32 $0x3  }
0x7: {  	[smem:$0x7FF] =	sst s3;
	s5 =	sadd.s32 $0x2400, s0;
	s4 =	sand.u32 $0x1, s4  }
0x8: {  	s7 =	smul.u32 $0x1900, s14;
	s6 =	sadd.s32 $0xC5A00, s0;
	s10 =	sadd.s32 $0x18F400, s0  }
0x9: {  	s21 =	sadd.s32 $0x18C200, s0;
	p0 =	sne.s32 s14, $0x0;
	_ =	strace $0x8000004A  }
0xa: {  	s8 =	smul.u32 $0x19000, s4;
	s9 =	sshll.u32 s4, $0x4;
	[dreg:$0x4] =	wrdreg s10  }
0xb: {  	[dreg:$0x5] =	wrdreg s21;
	s4 =	ssub.s32 $0x2, s4;
	s18 =	sshrl.u32 @!p0 s2, $0x3  }
0xc: {  	s21 =	simm.s32 $0x1A000;
	s9 =	sor.u32 s14, s9;
	s22 =	sshrl.u32 s4, $0x1  }
0xd: {  	s25 =	sadd.s32 s7, s1;
	s26 =	sadd.s32 s7, s2;
	s8 =	sadd.s32 s7, s8  }
0xe: {  	s13 =	smul.u32 $0x30D40, s9;
	s9 =	sadd.s32 $0x189000, s0;
	s4 =	ssub.s32 s4, s22  }
0xf: {  	s22 =	simm.s32 $0x1;
	s7 =	simm.s32 $0x0;
	s8 =	sshrl.u32 s8, $0x3  }
0x10: {  	s4 =	smax.u32 s4, $0x1;
	s0 =	sadd.s32 s8, s0;
	s23 =	sshrl.u32 s13, $0x3  }
0x11: {  	s12 =	sadd.s32 $0x7D0, s13;
	s13 =	sadd.s32 $0xFA0, s13;
	[dreg:$0x8] =	wrdreg s4  }
.Ltmp0:
0x12: {  	s4 =	sshrl.u32 @!p0 s1, $0x3;
	s10 =	sadd.s32 s5, s23;
	(pc) =	sbr.rel .LBB2_1-.Ltmp0, $4  }
0x13: {  	s11 =	sadd.s32 s6, s23;
	s24 =	sadd.s32 $0x192600, s0;
	[dreg:$0x9] =	wrdreg s4  }
0x14: {  	s0 =	sadd.s32 $0x198A00, s0;
	s23 =	simm.s32 $0x7D0;
	[dreg:$0x6] =	wrdreg s24  }
0x15: {  	s4 =	simm.s32 $0x4;
	[dreg:$0x7] =	wrdreg s0;
	s24 =	sshrl.u32 s25, $0x3  }
0x16: {  	s25 =	sshrl.u32 s26, $0x3;
	s26 =	simm.s32 $0x1B000;
	s0 =	simm.s32 $0x1B800  }
.LBB2_15:
0x17: {  	_ =	swait.ge [sflag:s4], $0x7D0  }
0x18: {  	[sflag:s4] =	ssyncset.done $0x0  }
0x19: {  	s8 =	stileid.u32;
	[sflag:s4] =	ssyncadd.s32 $0xFFFFF830  }
0x1a: {  	s8 =	sshll.u32 s8, $0x6;
	[bflag:$0x0] =	sbarrier.arrive $0xFFFF  }
0x1b: {  	s8 =	sor.u32 $0x1C05, s8;
	s14 =	rddreg [dreg:$0x6]  }
0x1c: {  	[hbm:s14], [sflag:s8] =	dma.local [spmem:s24], $0x320  }
0x1d: {  	_ =	swait.ge [sflag:s19], $0x320  }
0x1e: {  	[sflag:s19] =	ssyncset.done $0x0  }
0x1f: {  	s16 =	rddreg [dreg:$0x7];
	[sflag:s19] =	ssyncadd.s32 $0xFFFFFCE0  }
0x20: {  	[hbm:s16], [sflag:s8] =	dma.local [spmem:s25], $0x320  }
0x21: {  	_ =	swait.ge [sflag:s19], $0x320  }
0x22: {  	s7 =	sadd.s32 $0x1, s7;
	s17 =	rddreg [dreg:$0x8]  }
0x23: {  	p1 =	sne.s32 s7, s17  }
.Ltmp1:
0x24: {  	_ = 	snop;
	(pc) =	sbr.rel @!p1 .LBB2_16-.Ltmp1, $3  }
0x25: {  	_ =	sdelay $0x1  }
0x26: {  	[sflag:s19] =	ssyncset.done $0x0  }
0x27: {  	[sflag:s19] =	ssyncadd.s32 $0xFFFFFCE0  }
.LBB2_1:
0x28: {  	s8 =	simm.s32 @!p0 $0x1C05;
	s14 =	rddreg [dreg:$0x9]  }
0x29: {  	[spmem:s14], [sflag:s8] =	dma.local @!p0 [hbm:s9], $0x3200  }
0x2a: {  	s14 =	simm.s32 @!p0 $0x5  }
0x2b: {  	_ =	swait.ge @!p0 [sflag:s14], $0x3200  }
0x2c: {  	[sflag:s14] =	ssyncset.done @!p0 $0x0  }
0x2d: {  	[sflag:s14] =	ssyncadd.s32 @!p0 $0xFFFFCE00  }
0x2e: {  	[spmem:s18], [sflag:s8] =	dma.local @!p0 [hbm:s9], $0x3200  }
0x2f: {  	_ =	swait.ge @!p0 [sflag:s14], $0x3200  }
0x30: {  	[sflag:s14] =	ssyncset.done @!p0 $0x0  }
0x31: {  	[sflag:s14] =	ssyncadd.s32 @!p0 $0xFFFFCE00  }
0x32: {  	[bflag:$0x0] =	sbarrier.arrive $0xFFFF  }
0x33: {  	s17 =	rddreg [dreg:$0x4]  }
0x34: {  	[tilespmem:s3], [sflag:$0x5] =	stream.linear.gather [hbm4b:s17+s3], $0x19000, $0x38;
	[tilespmem:$0x1F200] =	vst v63  }
0x35: {  	_ =	swait.ge [sflag:s19], $0x19000  }
0x36: {  	[sflag:s19] =	ssyncset.done $0x0  }
0x37: {  	[sflag:s19] =	ssyncadd.s32 $0xFFFE7000  }
0x38: {  	[tilespmem:s20], [sflag:$0x1] =	stream.linear.gather [hbm4b:s10+s3], $0x7D0, $0x38;
	[tilespmem:$0x1F200] =	vst v63  }
0x39: {  	s8 =	simm.s32 $0x0  }
0x3a: {  	[tilespmem:s21], [sflag:$0x1] =	stream.linear.gather [hbm4b:s11+s3], $0x7D0, $0x38;
	[tilespmem:$0x1F200] =	vst v63  }
.LBB2_2:
0x3b: {  	_ =	swait.ge [sflag:s22], $0x7D0  }
0x3c: {  	[sflag:s22] =	ssyncset.done $0x0  }
0x3d: {  	[sflag:s22] =	ssyncadd.s32 $0xFFFFF830  }
0x3e: {  	_ =	swait.ge [sflag:s22], $0x7D0  }
0x3f: {  	[sflag:s22] =	ssyncset.done $0x0  }
0x40: {  	s14 =	simm.s32 $0x0;
	[sflag:s22] =	ssyncadd.s32 $0xFFFFF830  }
0x41: {  	v0 =	vld [tilespmem:s14+$0x19000];
	_ =	sdelay $0x6  }
0x42: {  	v1 =	vld [tilespmem:s14+$0x19010]  }
0x43: {  	v0 =	vld.idx.msk [tilespmem:v0+s3+$0x0], $0xffff;
	_ =	sdelay $0x4  }
0x44: {  	[tilespmem:s14+$0x1B000] =	vst v0;
	v0 =	vld [tilespmem:s14+$0x19020];
	_ =	sdelay $0x1  }
0x45: {  	v1 =	vld.idx.msk [tilespmem:v1+s3+$0x0], $0xffff;
	_ =	sdelay $0x4  }
0x46: {  	[tilespmem:s14+$0x1B010] =	vst v1;
	v1 =	vld [tilespmem:s14+$0x19030]  }
0x47: {  	v0 =	vld.idx.msk [tilespmem:v0+s3+$0x0], $0xffff;
	_ =	sdelay $0x4  }
0x48: {  	[tilespmem:s14+$0x1B020] =	vst v0;
	v0 =	vld [tilespmem:s14+$0x19040];
	_ =	sdelay $0x1  }
0x49: {  	v1 =	vld.idx.msk [tilespmem:v1+s3+$0x0], $0xffff;
	_ =	sdelay $0x3  }
0x4a: {  	s16 =	simm.s32 $0x50;
	s15 =	simm.s32 $0x280  }
.LBB2_3:
0x4b: {  	p1 =	sne.s32 s15, $0x1E00;
	v2 =	vld [tilespmem:s16+$0x19000];
	[tilespmem:s14+$0x1B030] =	vst v1  }
0x4c: {  	v0 =	vld.idx.msk [tilespmem:v0+s3+$0x0], $0xffff;
	_ =	sdelay $0x5  }
0x4d: {  	v1 =	vld [tilespmem:s16+$0x19010];
	[tilespmem:s14+$0x1B040] =	vst v0;
	s14 =	smov.u32 s16  }
0x4e: {  	v0 =	vld.idx.msk [tilespmem:v2+s3+$0x0], $0xffff;
	_ =	sdelay $0x5  }
0x4f: {  	[tilespmem:s14+$0x1B000] =	vst v0;
	v0 =	vld [tilespmem:s14+$0x19020]  }
0x50: {  	v1 =	vld.idx.msk [tilespmem:v1+s3+$0x0], $0xffff;
	_ =	sdelay $0x5  }
0x51: {  	[tilespmem:s14+$0x1B010] =	vst v1;
	v1 =	vld [tilespmem:s14+$0x19030]  }
0x52: {  	v0 =	vld.idx.msk [tilespmem:v0+s3+$0x0], $0xffff;
	_ =	sdelay $0x5  }
0x53: {  	[tilespmem:s14+$0x1B020] =	vst v0;
	v0 =	vld [tilespmem:s14+$0x19040]  }
0x54: {  	v1 =	vld.idx.msk [tilespmem:v1+s3+$0x0], $0xffff  }
.Ltmp2:
0x55: {  	(pc) =	sbr.rel @p1 .LBB2_3-.Ltmp2, $2  }
0x56: {  	_ =	sdelay $0x2  }
0x57: {  	s16 =	sshra.s32 s15, $0x2;
	s15 =	sadd.s32 $0x140, s15  }
0x58: {  	_ =	sdelay $0x1  }
0x59: {  	v2 =	vld [tilespmem:s16+$0x19000]  }
0x5a: {  	[tilespmem:s14+$0x1B030] =	vst v1  }
0x5b: {  	v0 =	vld.idx.msk [tilespmem:v0+s3+$0x0], $0xffff;
	_ =	sdelay $0x4  }
0x5c: {  	v1 =	vld [tilespmem:s16+$0x19010];
	[tilespmem:s14+$0x1B040] =	vst v0  }
0x5d: {  	v0 =	vld.idx.msk [tilespmem:v2+s3+$0x0], $0xffff;
	_ =	sdelay $0x4  }
0x5e: {  	[tilespmem:s16+$0x1B000] =	vst v0;
	v0 =	vld [tilespmem:s16+$0x19020];
	_ =	sdelay $0x1  }
0x5f: {  	v1 =	vld.idx.msk [tilespmem:v1+s3+$0x0], $0xffff;
	_ =	sdelay $0x4  }
0x60: {  	[tilespmem:s16+$0x1B010] =	vst v1;
	v1 =	vld [tilespmem:s16+$0x19030]  }
0x61: {  	v0 =	vld.idx.msk [tilespmem:v0+s3+$0x0], $0xffff;
	_ =	sdelay $0x4  }
0x62: {  	[tilespmem:s16+$0x1B020] =	vst v0;
	v0 =	vld [tilespmem:s16+$0x19040];
	_ =	sdelay $0x1  }
0x63: {  	v1 =	vld.idx.msk [tilespmem:v1+s3+$0x0], $0xffff;
	_ =	sdelay $0x4  }
0x64: {  	[tilespmem:s16+$0x1B030] =	vst v1  }
0x65: {  	v0 =	vld.idx.msk [tilespmem:v0+s3+$0x0], $0xffff;
	_ =	sdelay $0x3  }
0x66: {  	p1 =	seq.s32 s8, $0x0  }
0x67: {  	s14 =	simm.s32 @!p1 $0x4;
	[tilespmem:s16+$0x1B040] =	vst v0  }
0x68: {  	_ =	swait.ge @!p1 [sflag:s14], $0x7D0  }
0x69: {  	[sflag:s14] =	ssyncset.done @!p1 $0x0  }
0x6a: {  	[sflag:s14] =	ssyncadd.s32 @!p1 $0xFFFFF830;
	s14 =	smul.u32 $0xFA0, s8  }
0x6b: {  	[spmem:s1] =	stream.indirect.scatter.add.f32 [tilespmem:s26], [sflag:$0x3], $0x1, s21, s23, $0xb8;
	[tilespmem:$0x1F200] =	vst v63  }
0x6c: {  	s15 =	sadd.s32 s14, s12  }
0x6d: {  	s15 =	sshrl.u32 s15, $0x3  }
0x6e: {  	s17 =	simm.s32 $0x0;
	s16 =	sadd.s32 s5, s15  }
0x6f: {  	[tilespmem:s28], [sflag:$0x2] =	stream.linear.gather [hbm4b:s16+s17], $0x7D0, $0x38;
	[tilespmem:$0x1F200] =	vst v63  }
0x70: {  	s15 =	sadd.s32 s6, s15  }
0x71: {  	[tilespmem:s29], [sflag:$0x2] =	stream.linear.gather [hbm4b:s15+s17], $0x7D0, $0x38;
	[tilespmem:$0x1F200] =	vst v63  }
0x72: {  	_ =	swait.ge [sflag:s30], $0x7D0  }
0x73: {  	[sflag:s30] =	ssyncset.done $0x0  }
0x74: {  	[sflag:s30] =	ssyncadd.s32 $0xFFFFF830  }
0x75: {  	_ =	swait.ge [sflag:s30], $0x7D0  }
0x76: {  	[sflag:s30] =	ssyncset.done $0x0  }
0x77: {  	s15 =	simm.s32 $0x0;
	[sflag:s30] =	ssyncadd.s32 $0xFFFFF830  }
0x78: {  	v0 =	vld [tilespmem:s15+$0x19800];
	_ =	sdelay $0x6  }
0x79: {  	v1 =	vld [tilespmem:s15+$0x19810]  }
0x7a: {  	v0 =	vld.idx.msk [tilespmem:v0+s3+$0x0], $0xffff;
	_ =	sdelay $0x4  }
0x7b: {  	[tilespmem:s15+$0x1B800] =	vst v0;
	v0 =	vld [tilespmem:s15+$0x19820];
	_ =	sdelay $0x1  }
0x7c: {  	v1 =	vld.idx.msk [tilespmem:v1+s3+$0x0], $0xffff;
	_ =	sdelay $0x4  }
0x7d: {  	[tilespmem:s15+$0x1B810] =	vst v1;
	v1 =	vld [tilespmem:s15+$0x19830]  }
0x7e: {  	v0 =	vld.idx.msk [tilespmem:v0+s3+$0x0], $0xffff;
	_ =	sdelay $0x4  }
0x7f: {  	[tilespmem:s15+$0x1B820] =	vst v0;
	v0 =	vld [tilespmem:s15+$0x19840];
	_ =	sdelay $0x1  }
0x80: {  	v1 =	vld.idx.msk [tilespmem:v1+s3+$0x0], $0xffff;
	_ =	sdelay $0x3  }
0x81: {  	s16 =	simm.s32 $0x280;
	s17 =	simm.s32 $0x50  }
.LBB2_5:
0x82: {  	p1 =	sne.s32 s16, $0x1E00;
	v2 =	vld [tilespmem:s17+$0x19800];
	[tilespmem:s15+$0x1B830] =	vst v1  }
0x83: {  	v0 =	vld.idx.msk [tilespmem:v0+s3+$0x0], $0xffff;
	_ =	sdelay $0x5  }
0x84: {  	v1 =	vld [tilespmem:s17+$0x19810];
	[tilespmem:s15+$0x1B840] =	vst v0;
	s15 =	smov.u32 s17  }
0x85: {  	v0 =	vld.idx.msk [tilespmem:v2+s3+$0x0], $0xffff;
	_ =	sdelay $0x5  }
0x86: {  	[tilespmem:s15+$0x1B800] =	vst v0;
	v0 =	vld [tilespmem:s15+$0x19820]  }
0x87: {  	v1 =	vld.idx.msk [tilespmem:v1+s3+$0x0], $0xffff;
	_ =	sdelay $0x5  }
0x88: {  	[tilespmem:s15+$0x1B810] =	vst v1;
	v1 =	vld [tilespmem:s15+$0x19830]  }
0x89: {  	v0 =	vld.idx.msk [tilespmem:v0+s3+$0x0], $0xffff;
	_ =	sdelay $0x5  }
0x8a: {  	[tilespmem:s15+$0x1B820] =	vst v0;
	v0 =	vld [tilespmem:s15+$0x19840]  }
0x8b: {  	v1 =	vld.idx.msk [tilespmem:v1+s3+$0x0], $0xffff  }
.Ltmp3:
0x8c: {  	(pc) =	sbr.rel @p1 .LBB2_5-.Ltmp3, $2  }
0x8d: {  	_ =	sdelay $0x2  }
0x8e: {  	s17 =	sshra.s32 s16, $0x2;
	s16 =	sadd.s32 $0x140, s16  }
0x8f: {  	_ =	sdelay $0x1  }
0x90: {  	v2 =	vld [tilespmem:s17+$0x19800]  }
0x91: {  	[tilespmem:s15+$0x1B830] =	vst v1  }
0x92: {  	v0 =	vld.idx.msk [tilespmem:v0+s3+$0x0], $0xffff;
	_ =	sdelay $0x3  }
0x93: {  	v1 =	vld [tilespmem:s17+$0x19810]  }
0x94: {  	[tilespmem:s15+$0x1B840] =	vst v0  }
0x95: {  	v0 =	vld.idx.msk [tilespmem:v2+s3+$0x0], $0xffff;
	_ =	sdelay $0x3  }
0x96: {  	v61 =	vld [tilespmem:s17+$0x19820]  }
0x97: {  	[tilespmem:s17+$0x1B800] =	vst v0  }
0x98: {  	v1 =	vld.idx.msk [tilespmem:v1+s3+$0x0], $0xffff;
	_ =	sdelay $0x3  }
0x99: {  	v62 =	vld [tilespmem:s17+$0x19830]  }
0x9a: {  	[tilespmem:s17+$0x1B810] =	vst v1  }
0x9b: {  	v0 =	vld.idx.msk [tilespmem:v61+s3+$0x0], $0xffff;
	_ =	sdelay $0x3  }
0x9c: {  	v63 =	vld [tilespmem:s17+$0x19840]  }
0x9d: {  	[tilespmem:s17+$0x1B820] =	vst v0  }
0x9e: {  	v1 =	vld.idx.msk [tilespmem:v62+s3+$0x0], $0xffff;
	_ =	sdelay $0x4  }
0x9f: {  	[tilespmem:s17+$0x1B830] =	vst v1  }
0xa0: {  	v0 =	vld.idx.msk [tilespmem:v63+s3+$0x0], $0xffff;
	_ =	sdelay $0x3  }
0xa1: {  	p1 =	seq.s32 s8, $0x31  }
.Ltmp4:
0xa2: {  	[tilespmem:s17+$0x1B840] =	vst v0;
	(pc) =	sbr.rel @p1 .LBB2_8-.Ltmp4, $4  }
0xa3: {  	_ =	swait.ge [sflag:s31], $0x7D0  }
0xa4: {  	[sflag:s31] =	ssyncset.done $0x0  }
0xa5: {  	[sflag:s31] =	ssyncadd.s32 $0xFFFFF830  }
0xa6: {  	[spmem:s1] =	stream.indirect.scatter.add.f32 [tilespmem:s0], [sflag:$0x4], $0x1, s29, s23, $0xb8;
	[tilespmem:$0x1F200] =	vst v63  }
0xa7: {  	s14 =	sadd.s32 s14, s13  }
.Ltmp5:
0xa8: {  	s14 =	sshrl.u32 s14, $0x3;
	(pc) =	sbr.rel .LBB2_2-.Ltmp5, $4  }
0xa9: {  	s15 =	sadd.s32 s5, s14  }
0xaa: {  	[tilespmem:s20], [sflag:$0x1] =	stream.linear.gather [hbm4b:s15+s3], $0x7D0, $0x38;
	[tilespmem:$0x1F200] =	vst v63  }
0xab: {  	s8 =	sadd.s32 $0x1, s8;
	s14 =	sadd.s32 s6, s14  }
0xac: {  	[tilespmem:s21], [sflag:$0x1] =	stream.linear.gather [hbm4b:s14+s3], $0x7D0, $0x38;
	[tilespmem:$0x1F200] =	vst v63  }
.LBB2_8:
0xad: {  	_ =	swait.ge [sflag:s4], $0x7D0  }
0xae: {  	[sflag:s4] =	ssyncset.done $0x0  }
0xaf: {  	s8 =	simm.s32 $0x0;
	s14 =	rddreg [dreg:$0x5];
	[sflag:s4] =	ssyncadd.s32 $0xFFFFF830  }
0xb0: {  	[tilespmem:s8], [sflag:$0x5] =	stream.linear.gather [hbm4b:s14+s8], $0x19000, $0x38;
	[tilespmem:$0x1F200] =	vst v63  }
0xb1: {  	_ =	swait.ge [sflag:s19], $0x19000  }
0xb2: {  	[sflag:s19] =	ssyncset.done $0x0  }
0xb3: {  	[sflag:s19] =	ssyncadd.s32 $0xFFFE7000  }
0xb4: {  	[tilespmem:s20], [sflag:$0x1] =	stream.linear.gather [hbm4b:s11+s8], $0x7D0, $0x38;
	[tilespmem:$0x1F200] =	vst v63  }
0xb5: {  	_ = 	snop  }
0xb6: {  	[tilespmem:s21], [sflag:$0x1] =	stream.linear.gather [hbm4b:s10+s8], $0x7D0, $0x38;
	[tilespmem:$0x1F200] =	vst v63  }
.LBB2_9:
0xb7: {  	_ =	swait.ge [sflag:s22], $0x7D0  }
0xb8: {  	[sflag:s22] =	ssyncset.done $0x0  }
0xb9: {  	[sflag:s22] =	ssyncadd.s32 $0xFFFFF830  }
0xba: {  	_ =	swait.ge [sflag:s22], $0x7D0  }
0xbb: {  	[sflag:s22] =	ssyncset.done $0x0  }
0xbc: {  	s14 =	simm.s32 $0x0;
	[sflag:s22] =	ssyncadd.s32 $0xFFFFF830  }
0xbd: {  	v0 =	vld [tilespmem:s14+$0x19000];
	_ =	sdelay $0x6  }
0xbe: {  	v1 =	vld [tilespmem:s14+$0x19010]  }
0xbf: {  	v0 =	vld.idx.msk [tilespmem:v0+s3+$0x0], $0xffff;
	_ =	sdelay $0x4  }
0xc0: {  	[tilespmem:s14+$0x1B000] =	vst v0;
	v0 =	vld [tilespmem:s14+$0x19020];
	_ =	sdelay $0x1  }
0xc1: {  	v1 =	vld.idx.msk [tilespmem:v1+s3+$0x0], $0xffff;
	_ =	sdelay $0x4  }
0xc2: {  	[tilespmem:s14+$0x1B010] =	vst v1;
	v1 =	vld [tilespmem:s14+$0x19030]  }
0xc3: {  	v0 =	vld.idx.msk [tilespmem:v0+s3+$0x0], $0xffff;
	_ =	sdelay $0x4  }
0xc4: {  	[tilespmem:s14+$0x1B020] =	vst v0;
	v0 =	vld [tilespmem:s14+$0x19040];
	_ =	sdelay $0x1  }
0xc5: {  	v1 =	vld.idx.msk [tilespmem:v1+s3+$0x0], $0xffff;
	_ =	sdelay $0x3  }
0xc6: {  	s16 =	simm.s32 $0x50;
	s15 =	simm.s32 $0x280  }
.LBB2_10:
0xc7: {  	p1 =	sne.s32 s15, $0x1E00;
	v2 =	vld [tilespmem:s16+$0x19000];
	[tilespmem:s14+$0x1B030] =	vst v1  }
0xc8: {  	v0 =	vld.idx.msk [tilespmem:v0+s3+$0x0], $0xffff;
	_ =	sdelay $0x5  }
0xc9: {  	v1 =	vld [tilespmem:s16+$0x19010];
	[tilespmem:s14+$0x1B040] =	vst v0;
	s14 =	smov.u32 s16  }
0xca: {  	v0 =	vld.idx.msk [tilespmem:v2+s3+$0x0], $0xffff;
	_ =	sdelay $0x5  }
0xcb: {  	[tilespmem:s14+$0x1B000] =	vst v0;
	v0 =	vld [tilespmem:s14+$0x19020]  }
0xcc: {  	v1 =	vld.idx.msk [tilespmem:v1+s3+$0x0], $0xffff;
	_ =	sdelay $0x5  }
0xcd: {  	[tilespmem:s14+$0x1B010] =	vst v1;
	v1 =	vld [tilespmem:s14+$0x19030]  }
0xce: {  	v0 =	vld.idx.msk [tilespmem:v0+s3+$0x0], $0xffff;
	_ =	sdelay $0x5  }
0xcf: {  	[tilespmem:s14+$0x1B020] =	vst v0;
	v0 =	vld [tilespmem:s14+$0x19040]  }
0xd0: {  	v1 =	vld.idx.msk [tilespmem:v1+s3+$0x0], $0xffff  }
.Ltmp6:
0xd1: {  	(pc) =	sbr.rel @p1 .LBB2_10-.Ltmp6, $2  }
0xd2: {  	_ =	sdelay $0x2  }
0xd3: {  	s16 =	sshra.s32 s15, $0x2;
	s15 =	sadd.s32 $0x140, s15  }
0xd4: {  	_ =	sdelay $0x1  }
0xd5: {  	v2 =	vld [tilespmem:s16+$0x19000]  }
0xd6: {  	[tilespmem:s14+$0x1B030] =	vst v1  }
0xd7: {  	v0 =	vld.idx.msk [tilespmem:v0+s3+$0x0], $0xffff;
	_ =	sdelay $0x4  }
0xd8: {  	v1 =	vld [tilespmem:s16+$0x19010];
	[tilespmem:s14+$0x1B040] =	vst v0  }
0xd9: {  	v0 =	vld.idx.msk [tilespmem:v2+s3+$0x0], $0xffff;
	_ =	sdelay $0x4  }
0xda: {  	[tilespmem:s16+$0x1B000] =	vst v0;
	v0 =	vld [tilespmem:s16+$0x19020];
	_ =	sdelay $0x1  }
0xdb: {  	v1 =	vld.idx.msk [tilespmem:v1+s3+$0x0], $0xffff;
	_ =	sdelay $0x4  }
0xdc: {  	[tilespmem:s16+$0x1B010] =	vst v1;
	v1 =	vld [tilespmem:s16+$0x19030]  }
0xdd: {  	v0 =	vld.idx.msk [tilespmem:v0+s3+$0x0], $0xffff;
	_ =	sdelay $0x4  }
0xde: {  	[tilespmem:s16+$0x1B020] =	vst v0;
	v0 =	vld [tilespmem:s16+$0x19040];
	_ =	sdelay $0x1  }
0xdf: {  	v1 =	vld.idx.msk [tilespmem:v1+s3+$0x0], $0xffff;
	_ =	sdelay $0x4  }
0xe0: {  	[tilespmem:s16+$0x1B030] =	vst v1  }
0xe1: {  	v0 =	vld.idx.msk [tilespmem:v0+s3+$0x0], $0xffff;
	_ =	sdelay $0x3  }
0xe2: {  	p1 =	seq.s32 s8, $0x0  }
0xe3: {  	s14 =	simm.s32 @!p1 $0x4;
	[tilespmem:s16+$0x1B040] =	vst v0  }
0xe4: {  	_ =	swait.ge @!p1 [sflag:s14], $0x7D0  }
0xe5: {  	[sflag:s14] =	ssyncset.done @!p1 $0x0  }
0xe6: {  	[sflag:s14] =	ssyncadd.s32 @!p1 $0xFFFFF830;
	s14 =	smul.u32 $0xFA0, s8  }
0xe7: {  	[spmem:s2] =	stream.indirect.scatter.add.f32 [tilespmem:s26], [sflag:$0x3], $0x1, s21, s23, $0xb8;
	[tilespmem:$0x1F200] =	vst v63  }
0xe8: {  	s15 =	sadd.s32 s14, s12  }
0xe9: {  	s15 =	sshrl.u32 s15, $0x3  }
0xea: {  	s17 =	simm.s32 $0x0;
	s16 =	sadd.s32 s6, s15  }
0xeb: {  	[tilespmem:s28], [sflag:$0x2] =	stream.linear.gather [hbm4b:s16+s17], $0x7D0, $0x38;
	[tilespmem:$0x1F200] =	vst v63  }
0xec: {  	s15 =	sadd.s32 s5, s15  }
0xed: {  	[tilespmem:s29], [sflag:$0x2] =	stream.linear.gather [hbm4b:s15+s17], $0x7D0, $0x38;
	[tilespmem:$0x1F200] =	vst v63  }
0xee: {  	_ =	swait.ge [sflag:s30], $0x7D0  }
0xef: {  	[sflag:s30] =	ssyncset.done $0x0  }
0xf0: {  	[sflag:s30] =	ssyncadd.s32 $0xFFFFF830  }
0xf1: {  	_ =	swait.ge [sflag:s30], $0x7D0  }
0xf2: {  	[sflag:s30] =	ssyncset.done $0x0  }
0xf3: {  	s15 =	simm.s32 $0x0;
	[sflag:s30] =	ssyncadd.s32 $0xFFFFF830  }
0xf4: {  	v0 =	vld [tilespmem:s15+$0x19800];
	_ =	sdelay $0x6  }
0xf5: {  	v1 =	vld [tilespmem:s15+$0x19810]  }
0xf6: {  	v0 =	vld.idx.msk [tilespmem:v0+s3+$0x0], $0xffff;
	_ =	sdelay $0x4  }
0xf7: {  	[tilespmem:s15+$0x1B800] =	vst v0;
	v0 =	vld [tilespmem:s15+$0x19820];
	_ =	sdelay $0x1  }
0xf8: {  	v1 =	vld.idx.msk [tilespmem:v1+s3+$0x0], $0xffff;
	_ =	sdelay $0x4  }
0xf9: {  	[tilespmem:s15+$0x1B810] =	vst v1;
	v1 =	vld [tilespmem:s15+$0x19830]  }
0xfa: {  	v0 =	vld.idx.msk [tilespmem:v0+s3+$0x0], $0xffff;
	_ =	sdelay $0x4  }
0xfb: {  	[tilespmem:s15+$0x1B820] =	vst v0;
	v0 =	vld [tilespmem:s15+$0x19840];
	_ =	sdelay $0x1  }
0xfc: {  	v1 =	vld.idx.msk [tilespmem:v1+s3+$0x0], $0xffff;
	_ =	sdelay $0x3  }
0xfd: {  	s16 =	simm.s32 $0x280;
	s17 =	simm.s32 $0x50  }
.LBB2_12:
0xfe: {  	p1 =	sne.s32 s16, $0x1E00;
	v2 =	vld [tilespmem:s17+$0x19800];
	[tilespmem:s15+$0x1B830] =	vst v1  }
0xff: {  	v0 =	vld.idx.msk [tilespmem:v0+s3+$0x0], $0xffff;
	_ =	sdelay $0x5  }
0x100: {  	v1 =	vld [tilespmem:s17+$0x19810];
	[tilespmem:s15+$0x1B840] =	vst v0;
	s15 =	smov.u32 s17  }
0x101: {  	v0 =	vld.idx.msk [tilespmem:v2+s3+$0x0], $0xffff;
	_ =	sdelay $0x5  }
0x102: {  	[tilespmem:s15+$0x1B800] =	vst v0;
	v0 =	vld [tilespmem:s15+$0x19820]  }
0x103: {  	v1 =	vld.idx.msk [tilespmem:v1+s3+$0x0], $0xffff;
	_ =	sdelay $0x5  }
0x104: {  	[tilespmem:s15+$0x1B810] =	vst v1;
	v1 =	vld [tilespmem:s15+$0x19830]  }
0x105: {  	v0 =	vld.idx.msk [tilespmem:v0+s3+$0x0], $0xffff;
	_ =	sdelay $0x5  }
0x106: {  	[tilespmem:s15+$0x1B820] =	vst v0;
	v0 =	vld [tilespmem:s15+$0x19840]  }
0x107: {  	v1 =	vld.idx.msk [tilespmem:v1+s3+$0x0], $0xffff  }
.Ltmp7:
0x108: {  	(pc) =	sbr.rel @p1 .LBB2_12-.Ltmp7, $2  }
0x109: {  	_ =	sdelay $0x2  }
0x10a: {  	s17 =	sshra.s32 s16, $0x2;
	s16 =	sadd.s32 $0x140, s16  }
0x10b: {  	_ =	sdelay $0x1  }
0x10c: {  	v2 =	vld [tilespmem:s17+$0x19800]  }
0x10d: {  	[tilespmem:s15+$0x1B830] =	vst v1  }
0x10e: {  	v0 =	vld.idx.msk [tilespmem:v0+s3+$0x0], $0xffff;
	_ =	sdelay $0x3  }
0x10f: {  	v1 =	vld [tilespmem:s17+$0x19810]  }
0x110: {  	[tilespmem:s15+$0x1B840] =	vst v0  }
0x111: {  	v0 =	vld.idx.msk [tilespmem:v2+s3+$0x0], $0xffff;
	_ =	sdelay $0x3  }
0x112: {  	v61 =	vld [tilespmem:s17+$0x19820]  }
0x113: {  	[tilespmem:s17+$0x1B800] =	vst v0  }
0x114: {  	v1 =	vld.idx.msk [tilespmem:v1+s3+$0x0], $0xffff;
	_ =	sdelay $0x3  }
0x115: {  	v62 =	vld [tilespmem:s17+$0x19830]  }
0x116: {  	[tilespmem:s17+$0x1B810] =	vst v1  }
0x117: {  	v0 =	vld.idx.msk [tilespmem:v61+s3+$0x0], $0xffff;
	_ =	sdelay $0x3  }
0x118: {  	v63 =	vld [tilespmem:s17+$0x19840]  }
0x119: {  	[tilespmem:s17+$0x1B820] =	vst v0  }
0x11a: {  	v1 =	vld.idx.msk [tilespmem:v62+s3+$0x0], $0xffff;
	_ =	sdelay $0x4  }
0x11b: {  	[tilespmem:s17+$0x1B830] =	vst v1  }
0x11c: {  	v0 =	vld.idx.msk [tilespmem:v63+s3+$0x0], $0xffff;
	_ =	sdelay $0x3  }
0x11d: {  	p1 =	seq.s32 s8, $0x31  }
.Ltmp8:
0x11e: {  	[tilespmem:s17+$0x1B840] =	vst v0;
	(pc) =	sbr.rel @p1 .LBB2_15-.Ltmp8, $4  }
0x11f: {  	_ =	swait.ge [sflag:s31], $0x7D0  }
0x120: {  	[sflag:s31] =	ssyncset.done $0x0  }
0x121: {  	[sflag:s31] =	ssyncadd.s32 $0xFFFFF830  }
0x122: {  	[spmem:s2] =	stream.indirect.scatter.add.f32 [tilespmem:s0], [sflag:$0x4], $0x1, s29, s23, $0xb8;
	[tilespmem:$0x1F200] =	vst v63  }
0x123: {  	s14 =	sadd.s32 s14, s13  }
.Ltmp9:
0x124: {  	s14 =	sshrl.u32 s14, $0x3;
	(pc) =	sbr.rel .LBB2_9-.Ltmp9, $4  }
0x125: {  	s15 =	sadd.s32 s6, s14  }
0x126: {  	[tilespmem:s20], [sflag:$0x1] =	stream.linear.gather [hbm4b:s15+s3], $0x7D0, $0x38;
	[tilespmem:$0x1F200] =	vst v63  }
0x127: {  	s8 =	sadd.s32 $0x1, s8;
	s14 =	sadd.s32 s5, s14  }
0x128: {  	[tilespmem:s21], [sflag:$0x1] =	stream.linear.gather [hbm4b:s14+s3], $0x7D0, $0x38;
	[tilespmem:$0x1F200] =	vst v63  }
.LBB2_16:
0x129: {  	_ =	sfence.sel $0x180000  }
0x12a: {  	[bflag:$0x0] =	sbarrier.arrive $0xFFFF  }
0x12b: {  	_ =	strace $0x9000004A  }
0x12c: {  	[bflag:$0x2] =	sbarrier.arrive $0xFFFF  }
0x12d: {  	s0 =	rddreg [dreg:$0x3]  }
0x12e: {  	s0 =	sadd.s32 @!p0 $0x100000, s0  }
0x12f: {  	[sflag:s0] =	ssyncadd.tile.s32 @!p0 $0x1;
	_ =	shalt  }
.Lfunc_end2:
_tile_overlayer_lowered:
.L_overlay_start_2:
0x130: {  	(tag) =	ssettag $0x2  }
0x131: {  	s0 =	rddreg [dreg:$0x0];
	s2 =	stileid.u32  }
0x132: {  	s1 =	rddreg [dreg:$0x1];
	p0 =	sne.s32 s2, $0x0  }
0x133: {  	s3 =	rddreg [dreg:$0x2];
	[bflag:$0x3] =	sbarrier.arrive $0xFFFF;
	s2 =	simm.s32 @!p0 $0x1C05  }
0x134: {  	[timem:s3], [sflag:s2] =	dma.local @!p0 [hbm:s0], s1  }
0x135: {  	s0 =	simm.s32 @!p0 $0x5  }
0x136: {  	_ =	swait.ge @!p0 [sflag:s0], s1  }
0x137: {  	s1 =	ssub.s32 @!p0 $0x0, s1;
	[sflag:s0] =	ssyncset.done @!p0 $0x0  }
0x138: {  	[sflag:s0] =	ssyncadd.s32 @!p0 s1  }
0x139: {  	[bflag:$0x3] =	sbarrier.arrive $0xFFFF  }
0x13a: {  	_ =	shalt  }

</sc_bundles>
